<compile_context>
chip_gen: v7x
topology: tpu7x:2x2x1
jax: 0.10.2.dev20260603
libtpu: 0.0.44.dev20260713+nightly
codegen_flags: <defaults>
</compile_context>

<pallas_src>
import jax
import jax.numpy as jnp
from jax import lax
from jax.experimental import pallas as pl
from jax.experimental.pallas import tpu as pltpu
from jax.experimental.pallas import tpu_sc as plsc

MAX_POS_IDX = 8192
EMBED_DIM = 1024
BATCH = 4
SEQ_LEN = 8192

NUM_CORES = 2
NUM_SUBCORES = 16
NUM_WORKERS = NUM_CORES * NUM_SUBCORES

TOTAL_IDX = BATCH * SEQ_LEN
IDX_PER_WORKER = TOTAL_IDX // NUM_WORKERS
CHUNK = 16
NUM_CHUNKS = IDX_PER_WORKER // CHUNK
NBUF = 4
NUM_GROUPS = NUM_CHUNKS // NBUF


def _gather_body(table_hbm, pos_hbm, out_hbm, idx_v, rows_v,
                 g0, g1, g2, g3, w0, w1, w2, w3):
    gsems = [g0, g1, g2, g3]
    wsems = [w0, w1, w2, w3]
    wid = lax.axis_index("s") * NUM_CORES + lax.axis_index("c")
    base = wid * IDX_PER_WORKER
    pltpu.sync_copy(pos_hbm.at[pl.ds(base, IDX_PER_WORKER)], idx_v)

    def gather(h, b):
        off = pl.multiple_of(h * CHUNK, CHUNK)
        return pltpu.make_async_copy(
            table_hbm.at[idx_v.at[pl.ds(off, CHUNK)]], rows_v.at[b], gsems[b])

    def write(h, b):
        off = pl.multiple_of(h * CHUNK, CHUNK)
        return pltpu.make_async_copy(
            rows_v.at[b], out_hbm.at[pl.ds(base + off, CHUNK)], wsems[b])

    gather(0, 0).start()
    gather(1, 1).start()

    def group(i, carry):
        for b in range(NBUF):
            g = i * NBUF + b
            gather(g, b).wait()
            write(g, b).start()
            if b >= 2:
                write(g - 2, b - 2).wait()

                @pl.when(i < NUM_GROUPS - 1)
                def _():
                    gather(g + 2, (b + 2) % NBUF).start()
            else:
                @pl.when(i > 0)
                def _():
                    write(g - 2, (b + 2) % NBUF).wait()

                gather(g + 2, (b + 2) % NBUF).start()
        return carry

    lax.fori_loop(0, NUM_GROUPS, group, 0)
    write(NUM_CHUNKS - 2, 2).wait()
    write(NUM_CHUNKS - 1, 3).wait()


@jax.jit
def _abs_pos(positions, pos_embed_table):
    flat_pos = positions.reshape(TOTAL_IDX)
    mesh = plsc.VectorSubcoreMesh(core_axis_name="c", subcore_axis_name="s")
    out = pl.kernel(
        _gather_body,
        out_type=jax.ShapeDtypeStruct((TOTAL_IDX, EMBED_DIM), jnp.float32),
        mesh=mesh,
        scratch_types=[
            pltpu.VMEM((IDX_PER_WORKER,), jnp.int32),
            pltpu.VMEM((NBUF, CHUNK, EMBED_DIM), jnp.float32),
        ] + [pltpu.SemaphoreType.DMA] * (2 * NBUF),
    )(pos_embed_table, flat_pos)
    return out.reshape(BATCH, SEQ_LEN, EMBED_DIM)


def kernel(positions, pos_embed_table):
    return _abs_pos(positions, pos_embed_table)

# --- scband reference (transcript-rebuilt; emitter-appended) ---
"""Pipeline reference for scband-abs-pos-28467043238420 (READ-ONLY COPY).

The authoritative reference and input builder live on the scoring server;
editing this copy changes nothing except your own understanding.
"""

import jax, jax.numpy as jnp
import numpy as np

MAX_POS_IDX = 8192
EMBED_DIM = 1024
BATCH = 4
SEQ_LEN = 8192


def setup_inputs(seed: int = 0) -> dict:
    key = jax.random.key(seed)
    k1, k2 = jax.random.split(key)
    positions = jax.random.randint(k1, (BATCH, SEQ_LEN), 0, MAX_POS_IDX, dtype=jnp.int32)
    pos_embed_table = jax.random.normal(k2, (MAX_POS_IDX, EMBED_DIM), dtype=jnp.float32) * 0.02
    return {"positions": positions, "pos_embed_table": pos_embed_table}


def reference(positions, pos_embed_table):
    # AbsPos: absolute positional embedding lookup; pos_embed(idx) == table[idx]
    return jnp.take(pos_embed_table, positions, axis=0)

if __name__ == "__main__":
    import jax
    _d = setup_inputs()
    print(jax.jit(kernel)(*tuple(_d.values())))

</pallas_src>

<mosaic_0001>
#map = affine_map<(d0, d1) -> (0, 0)>
#map1 = affine_map<(d0, d1) -> (0)>
module attributes {stable_mosaic.version = 14 : i64} {
  func.func @_gather_body(%arg0: i32, %arg1: i32, %arg2: memref<8192x1024xf32, #tpu.memory_space<hbm>>, %arg3: memref<32768xi32, #tpu.memory_space<hbm>>, %arg4: memref<32768x1024xf32, #tpu.memory_space<hbm>>, %arg5: memref<1024xi32, #tpu.memory_space<vmem>>, %arg6: memref<4x16x1024xf32, #tpu.memory_space<vmem>>, %arg7: memref<!tpu.dma_semaphore, #tpu.memory_space<semaphore_mem>>, %arg8: memref<!tpu.dma_semaphore, #tpu.memory_space<semaphore_mem>>, %arg9: memref<!tpu.dma_semaphore, #tpu.memory_space<semaphore_mem>>, %arg10: memref<!tpu.dma_semaphore, #tpu.memory_space<semaphore_mem>>, %arg11: memref<!tpu.dma_semaphore, #tpu.memory_space<semaphore_mem>>, %arg12: memref<!tpu.dma_semaphore, #tpu.memory_space<semaphore_mem>>, %arg13: memref<!tpu.dma_semaphore, #tpu.memory_space<semaphore_mem>>, %arg14: memref<!tpu.dma_semaphore, #tpu.memory_space<semaphore_mem>>) attributes {dimension_semantics = [#tpu.dimension_semantics<core_parallel>, #tpu.dimension_semantics<subcore_parallel>], iteration_bounds = array<i64: 2, 16>, scalar_prefetch = 0 : i64, scratch_operands = 10 : i64, tpu.core_type = #tpu.core_type<sc_vector_subcore>, window_params = [{transform_indices = #map}, {transform_indices = #map1}, {transform_indices = #map}]} {
    %mul3A = arith.constant 2 : i32
    %mul3A_0 = arith.muli %arg1, %mul3A : i32
    %add3A = arith.addi %mul3A_0, %arg0 : i32
    %mul3A_1 = arith.constant 1024 : i32
    %mul3A_2 = arith.muli %add3A, %mul3A_1 : i32
    "tpu.region"() ({
      %run_scoped3A = tpu.sem_alloc : memref<!tpu.dma_semaphore, #tpu.memory_space<semaphore_mem>>
      %dma_start3A_59 = tpu.memref_slice %arg3[%mul3A_2] : memref<32768xi32, #tpu.memory_space<hbm>> -> memref<1024xi32, #tpu.memory_space<hbm>>
      %dma_start3A_60 = tpu.memref_slice %arg3[%mul3A_2] : memref<32768xi32, #tpu.memory_space<hbm>> -> memref<1024xi32, #tpu.memory_space<hbm>>
      tpu.enqueue_dma source(%dma_start3A_60 : memref<1024xi32, #tpu.memory_space<hbm>>) target(%arg5 : memref<1024xi32, #tpu.memory_space<vmem>>) target_semaphore(%run_scoped3A : memref<!tpu.dma_semaphore, #tpu.memory_space<semaphore_mem>>)
      %dma_wait3A_61 = tpu.memref_slice %arg3[%mul3A_2] : memref<32768xi32, #tpu.memory_space<hbm>> -> memref<1024xi32, #tpu.memory_space<hbm>>
      %dma_wait3A_62 = tpu.memref_slice %arg3[%mul3A_2] : memref<32768xi32, #tpu.memory_space<hbm>> -> memref<1024xi32, #tpu.memory_space<hbm>>
      tpu.wait_dma2 semaphore(%run_scoped3A : memref<!tpu.dma_semaphore, #tpu.memory_space<semaphore_mem>>) src(%dma_wait3A_62 : memref<1024xi32, #tpu.memory_space<hbm>>) dst(%arg5 : memref<1024xi32, #tpu.memory_space<vmem>>)
      tpu.yield
    }) : () -> ()
    %multiple_of3A = arith.constant 0 : i32
    %multiple_of3A_3 = tpu.assume_multiple %multiple_of3A, 16 : i32
    %dma_start3A = arith.constant 0 : i32
    %dma_start3A_4 = arith.constant 0 : i32
    %dma_start3A_5 = arith.constant 0 : i32
    %dma_start3A_6 = tpu.memref_slice %arg6[%dma_start3A, %dma_start3A_4, %dma_start3A_5] : memref<4x16x1024xf32, #tpu.memory_space<vmem>> -> memref<1x16x1024xf32, #tpu.memory_space<vmem>>
    %dma_start3A_7 = tpu.memref_squeeze %dma_start3A_6 : memref<1x16x1024xf32, #tpu.memory_space<vmem>> -> memref<16x1024xf32, #tpu.memory_space<vmem>>
    %dma_start3A_8 = tpu.memref_slice %arg5[%multiple_of3A_3] : memref<1024xi32, #tpu.memory_space<vmem>> -> memref<16xi32, #tpu.memory_space<vmem>>
    %dma_start3A_9 = arith.constant 0 : i32
    %dma_start3A_10 = arith.constant 0 : i32
    %dma_start3A_11 = tpu.memref_slice %arg2[%dma_start3A_9, %dma_start3A_10] : memref<8192x1024xf32, #tpu.memory_space<hbm>> -> memref<8192x1024xf32, #tpu.memory_space<hbm>>
    tpu.enqueue_indirect_dma source(%dma_start3A_11 : memref<8192x1024xf32, #tpu.memory_space<hbm>>) target(%dma_start3A_7 : memref<16x1024xf32, #tpu.memory_space<vmem>>) offsets(%dma_start3A_8 : memref<16xi32, #tpu.memory_space<vmem>>) semaphore(%arg7 : memref<!tpu.dma_semaphore, #tpu.memory_space<semaphore_mem>>)
    %multiple_of3A_12 = arith.constant 16 : i32
    %multiple_of3A_13 = tpu.assume_multiple %multiple_of3A_12, 16 : i32
    %dma_start3A_14 = arith.constant 1 : i32
    %dma_start3A_15 = arith.constant 0 : i32
    %dma_start3A_16 = arith.constant 0 : i32
    %dma_start3A_17 = tpu.memref_slice %arg6[%dma_start3A_14, %dma_start3A_15, %dma_start3A_16] : memref<4x16x1024xf32, #tpu.memory_space<vmem>> -> memref<1x16x1024xf32, #tpu.memory_space<vmem>>
    %dma_start3A_18 = tpu.memref_squeeze %dma_start3A_17 : memref<1x16x1024xf32, #tpu.memory_space<vmem>> -> memref<16x1024xf32, #tpu.memory_space<vmem>>
    %dma_start3A_19 = tpu.memref_slice %arg5[%multiple_of3A_13] : memref<1024xi32, #tpu.memory_space<vmem>> -> memref<16xi32, #tpu.memory_space<vmem>>
    %dma_start3A_20 = arith.constant 0 : i32
    %dma_start3A_21 = arith.constant 0 : i32
    %dma_start3A_22 = tpu.memref_slice %arg2[%dma_start3A_20, %dma_start3A_21] : memref<8192x1024xf32, #tpu.memory_space<hbm>> -> memref<8192x1024xf32, #tpu.memory_space<hbm>>
    tpu.enqueue_indirect_dma source(%dma_start3A_22 : memref<8192x1024xf32, #tpu.memory_space<hbm>>) target(%dma_start3A_18 : memref<16x1024xf32, #tpu.memory_space<vmem>>) offsets(%dma_start3A_19 : memref<16xi32, #tpu.memory_space<vmem>>) semaphore(%arg8 : memref<!tpu.dma_semaphore, #tpu.memory_space<semaphore_mem>>)
    %scan3A = arith.constant 0 : i32
    %scan3A_23 = arith.constant 0 : i32
    %scan3A_24 = arith.constant 16 : i32
    %scan3A_25 = arith.addi %scan3A_23, %scan3A_24 : i32
    %scan3A_26 = arith.constant 1 : i32
    scf.for %scan3A_59 = %scan3A_23 to %scan3A_25 step %scan3A_26  : i32 {
      %mul3A_60 = arith.constant 4 : i32
      %mul3A_61 = arith.muli %scan3A_59, %mul3A_60 : i32
      %add3A_62 = arith.constant 0 : i32
      %add3A_63 = arith.addi %mul3A_61, %add3A_62 : i32
      %mul3A_64 = arith.constant 16 : i32
      %mul3A_65 = arith.muli %add3A_63, %mul3A_64 : i32
      %multiple_of3A_66 = tpu.assume_multiple %mul3A_65, 16 : i32
      %dma_wait3A_67 = arith.constant 0 : i32
      %dma_wait3A_68 = arith.constant 0 : i32
      %dma_wait3A_69 = arith.constant 0 : i32
      %dma_wait3A_70 = tpu.memref_slice %arg6[%dma_wait3A_67, %dma_wait3A_68, %dma_wait3A_69] : memref<4x16x1024xf32, #tpu.memory_space<vmem>> -> memref<1x16x1024xf32, #tpu.memory_space<vmem>>
      %dma_wait3A_71 = tpu.memref_squeeze %dma_wait3A_70 : memref<1x16x1024xf32, #tpu.memory_space<vmem>> -> memref<16x1024xf32, #tpu.memory_space<vmem>>
      %dma_wait3A_72 = tpu.memref_slice %arg5[%multiple_of3A_66] : memref<1024xi32, #tpu.memory_space<vmem>> -> memref<16xi32, #tpu.memory_space<vmem>>
      %dma_wait3A_73 = arith.constant 0 : i32
      %dma_wait3A_74 = arith.constant 0 : i32
      %dma_wait3A_75 = tpu.memref_slice %arg2[%dma_wait3A_73, %dma_wait3A_74] : memref<8192x1024xf32, #tpu.memory_space<hbm>> -> memref<8192x1024xf32, #tpu.memory_space<hbm>>
      tpu.wait_indirect_dma semaphore(%arg7 : memref<!tpu.dma_semaphore, #tpu.memory_space<semaphore_mem>>) src(%dma_wait3A_75 : memref<8192x1024xf32, #tpu.memory_space<hbm>>) dst(%dma_wait3A_71 : memref<16x1024xf32, #tpu.memory_space<vmem>>)
      %mul3A_76 = arith.constant 16 : i32
      %mul3A_77 = arith.muli %add3A_63, %mul3A_76 : i32
      %multiple_of3A_78 = tpu.assume_multiple %mul3A_77, 16 : i32
      %add3A_79 = arith.addi %mul3A_2, %multiple_of3A_78 : i32
      %dma_start3A_80 = arith.constant 0 : i32
      %dma_start3A_81 = arith.constant 0 : i32
      %dma_start3A_82 = arith.constant 0 : i32
      %dma_start3A_83 = tpu.memref_slice %arg6[%dma_start3A_80, %dma_start3A_81, %dma_start3A_82] : memref<4x16x1024xf32, #tpu.memory_space<vmem>> -> memref<1x16x1024xf32, #tpu.memory_space<vmem>>
      %dma_start3A_84 = tpu.memref_squeeze %dma_start3A_83 : memref<1x16x1024xf32, #tpu.memory_space<vmem>> -> memref<16x1024xf32, #tpu.memory_space<vmem>>
      %dma_start3A_85 = arith.constant 0 : i32
      %dma_start3A_86 = tpu.memref_slice %arg4[%add3A_79, %dma_start3A_85] : memref<32768x1024xf32, #tpu.memory_space<hbm>> -> memref<16x1024xf32, #tpu.memory_space<hbm>>
      %dma_start3A_87 = arith.constant 0 : i32
      %dma_start3A_88 = tpu.memref_slice %arg4[%add3A_79, %dma_start3A_87] : memref<32768x1024xf32, #tpu.memory_space<hbm>> -> memref<16x1024xf32, #tpu.memory_space<hbm>>
      %dma_start3A_89 = arith.constant 0 : i32
      %dma_start3A_90 = arith.constant 0 : i32
      %dma_start3A_91 = tpu.memref_slice %arg6[%dma_start3A_80, %dma_start3A_89, %dma_start3A_90] : memref<4x16x1024xf32, #tpu.memory_space<vmem>> -> memref<1x16x1024xf32, #tpu.memory_space<vmem>>
      %dma_start3A_92 = tpu.memref_squeeze %dma_start3A_91 : memref<1x16x1024xf32, #tpu.memory_space<vmem>> -> memref<16x1024xf32, #tpu.memory_space<vmem>>
      tpu.enqueue_dma source(%dma_start3A_92 : memref<16x1024xf32, #tpu.memory_space<vmem>>) target(%dma_start3A_88 : memref<16x1024xf32, #tpu.memory_space<hbm>>) target_semaphore(%arg11 : memref<!tpu.dma_semaphore, #tpu.memory_space<semaphore_mem>>)
      %gt3A = arith.constant 0 : i32
      %gt3A_93 = arith.cmpi sgt, %scan3A_59, %gt3A : i32
      %convert_element_type3A = arith.extui %gt3A_93 : i1 to i32
      %cond3A = arith.constant 0 : i32
      %cond3A_94 = arith.cmpi ne, %convert_element_type3A, %cond3A : i32
      scf.if %cond3A_94 {
        %sub3A_273 = arith.constant 2 : i32
        %sub3A_274 = arith.subi %add3A_63, %sub3A_273 : i32
        %mul3A_275 = arith.constant 16 : i32
        %mul3A_276 = arith.muli %sub3A_274, %mul3A_275 : i32
        %multiple_of3A_277 = tpu.assume_multiple %mul3A_276, 16 : i32
        %add3A_278 = arith.addi %mul3A_2, %multiple_of3A_277 : i32
        %dma_wait3A_279 = arith.constant 2 : i32
        %dma_wait3A_280 = arith.constant 0 : i32
        %dma_wait3A_281 = arith.constant 0 : i32
        %dma_wait3A_282 = tpu.memref_slice %arg6[%dma_wait3A_279, %dma_wait3A_280, %dma_wait3A_281] : memref<4x16x1024xf32, #tpu.memory_space<vmem>> -> memref<1x16x1024xf32, #tpu.memory_space<vmem>>
        %dma_wait3A_283 = tpu.memref_squeeze %dma_wait3A_282 : memref<1x16x1024xf32, #tpu.memory_space<vmem>> -> memref<16x1024xf32, #tpu.memory_space<vmem>>
        %dma_wait3A_284 = arith.constant 0 : i32
        %dma_wait3A_285 = tpu.memref_slice %arg4[%add3A_278, %dma_wait3A_284] : memref<32768x1024xf32, #tpu.memory_space<hbm>> -> memref<16x1024xf32, #tpu.memory_space<hbm>>
        %dma_wait3A_286 = arith.constant 0 : i32
        %dma_wait3A_287 = tpu.memref_slice %arg4[%add3A_278, %dma_wait3A_286] : memref<32768x1024xf32, #tpu.memory_space<hbm>> -> memref<16x1024xf32, #tpu.memory_space<hbm>>
        %dma_wait3A_288 = arith.constant 0 : i32
        %dma_wait3A_289 = arith.constant 0 : i32
        %dma_wait3A_290 = tpu.memref_slice %arg6[%dma_wait3A_279, %dma_wait3A_288, %dma_wait3A_289] : memref<4x16x1024xf32, #tpu.memory_space<vmem>> -> memref<1x16x1024xf32, #tpu.memory_space<vmem>>
        %dma_wait3A_291 = tpu.memref_squeeze %dma_wait3A_290 : memref<1x16x1024xf32, #tpu.memory_space<vmem>> -> memref<16x1024xf32, #tpu.memory_space<vmem>>
        tpu.wait_dma2 semaphore(%arg13 : memref<!tpu.dma_semaphore, #tpu.memory_space<semaphore_mem>>) src(%dma_wait3A_291 : memref<16x1024xf32, #tpu.memory_space<vmem>>) dst(%dma_wait3A_287 : memref<16x1024xf32, #tpu.memory_space<hbm>>)
      } else {
      }
      %add3A_95 = arith.constant 2 : i32
      %add3A_96 = arith.addi %add3A_63, %add3A_95 : i32
      %mul3A_97 = arith.constant 16 : i32
      %mul3A_98 = arith.muli %add3A_96, %mul3A_97 : i32
      %multiple_of3A_99 = tpu.assume_multiple %mul3A_98, 16 : i32
      %dma_start3A_100 = arith.constant 2 : i32
      %dma_start3A_101 = arith.constant 0 : i32
      %dma_start3A_102 = arith.constant 0 : i32
      %dma_start3A_103 = tpu.memref_slice %arg6[%dma_start3A_100, %dma_start3A_101, %dma_start3A_102] : memref<4x16x1024xf32, #tpu.memory_space<vmem>> -> memref<1x16x1024xf32, #tpu.memory_space<vmem>>
      %dma_start3A_104 = tpu.memref_squeeze %dma_start3A_103 : memref<1x16x1024xf32, #tpu.memory_space<vmem>> -> memref<16x1024xf32, #tpu.memory_space<vmem>>
      %dma_start3A_105 = tpu.memref_slice %arg5[%multiple_of3A_99] : memref<1024xi32, #tpu.memory_space<vmem>> -> memref<16xi32, #tpu.memory_space<vmem>>
      %dma_start3A_106 = arith.constant 0 : i32
      %dma_start3A_107 = arith.constant 0 : i32
      %dma_start3A_108 = tpu.memref_slice %arg2[%dma_start3A_106, %dma_start3A_107] : memref<8192x1024xf32, #tpu.memory_space<hbm>> -> memref<8192x1024xf32, #tpu.memory_space<hbm>>
      tpu.enqueue_indirect_dma source(%dma_start3A_108 : memref<8192x1024xf32, #tpu.memory_space<hbm>>) target(%dma_start3A_104 : memref<16x1024xf32, #tpu.memory_space<vmem>>) offsets(%dma_start3A_105 : memref<16xi32, #tpu.memory_space<vmem>>) semaphore(%arg9 : memref<!tpu.dma_semaphore, #tpu.memory_space<semaphore_mem>>)
      %mul3A_109 = arith.constant 4 : i32
      %mul3A_110 = arith.muli %scan3A_59, %mul3A_109 : i32
      %add3A_111 = arith.constant 1 : i32
      %add3A_112 = arith.addi %mul3A_110, %add3A_111 : i32
      %mul3A_113 = arith.constant 16 : i32
      %mul3A_114 = arith.muli %add3A_112, %mul3A_113 : i32
      %multiple_of3A_115 = tpu.assume_multiple %mul3A_114, 16 : i32
      %dma_wait3A_116 = arith.constant 1 : i32
      %dma_wait3A_117 = arith.constant 0 : i32
      %dma_wait3A_118 = arith.constant 0 : i32
      %dma_wait3A_119 = tpu.memref_slice %arg6[%dma_wait3A_116, %dma_wait3A_117, %dma_wait3A_118] : memref<4x16x1024xf32, #tpu.memory_space<vmem>> -> memref<1x16x1024xf32, #tpu.memory_space<vmem>>
      %dma_wait3A_120 = tpu.memref_squeeze %dma_wait3A_119 : memref<1x16x1024xf32, #tpu.memory_space<vmem>> -> memref<16x1024xf32, #tpu.memory_space<vmem>>
      %dma_wait3A_121 = tpu.memref_slice %arg5[%multiple_of3A_115] : memref<1024xi32, #tpu.memory_space<vmem>> -> memref<16xi32, #tpu.memory_space<vmem>>
      %dma_wait3A_122 = arith.constant 0 : i32
      %dma_wait3A_123 = arith.constant 0 : i32
      %dma_wait3A_124 = tpu.memref_slice %arg2[%dma_wait3A_122, %dma_wait3A_123] : memref<8192x1024xf32, #tpu.memory_space<hbm>> -> memref<8192x1024xf32, #tpu.memory_space<hbm>>
      tpu.wait_indirect_dma semaphore(%arg8 : memref<!tpu.dma_semaphore, #tpu.memory_space<semaphore_mem>>) src(%dma_wait3A_124 : memref<8192x1024xf32, #tpu.memory_space<hbm>>) dst(%dma_wait3A_120 : memref<16x1024xf32, #tpu.memory_space<vmem>>)
      %mul3A_125 = arith.constant 16 : i32
      %mul3A_126 = arith.muli %add3A_112, %mul3A_125 : i32
      %multiple_of3A_127 = tpu.assume_multiple %mul3A_126, 16 : i32
      %add3A_128 = arith.addi %mul3A_2, %multiple_of3A_127 : i32
      %dma_start3A_129 = arith.constant 1 : i32
      %dma_start3A_130 = arith.constant 0 : i32
      %dma_start3A_131 = arith.constant 0 : i32
      %dma_start3A_132 = tpu.memref_slice %arg6[%dma_start3A_129, %dma_start3A_130, %dma_start3A_131] : memref<4x16x1024xf32, #tpu.memory_space<vmem>> -> memref<1x16x1024xf32, #tpu.memory_space<vmem>>
      %dma_start3A_133 = tpu.memref_squeeze %dma_start3A_132 : memref<1x16x1024xf32, #tpu.memory_space<vmem>> -> memref<16x1024xf32, #tpu.memory_space<vmem>>
      %dma_start3A_134 = arith.constant 0 : i32
      %dma_start3A_135 = tpu.memref_slice %arg4[%add3A_128, %dma_start3A_134] : memref<32768x1024xf32, #tpu.memory_space<hbm>> -> memref<16x1024xf32, #tpu.memory_space<hbm>>
      %dma_start3A_136 = arith.constant 0 : i32
      %dma_start3A_137 = tpu.memref_slice %arg4[%add3A_128, %dma_start3A_136] : memref<32768x1024xf32, #tpu.memory_space<hbm>> -> memref<16x1024xf32, #tpu.memory_space<hbm>>
      %dma_start3A_138 = arith.constant 0 : i32
      %dma_start3A_139 = arith.constant 0 : i32
      %dma_start3A_140 = tpu.memref_slice %arg6[%dma_start3A_129, %dma_start3A_138, %dma_start3A_139] : memref<4x16x1024xf32, #tpu.memory_space<vmem>> -> memref<1x16x1024xf32, #tpu.memory_space<vmem>>
      %dma_start3A_141 = tpu.memref_squeeze %dma_start3A_140 : memref<1x16x1024xf32, #tpu.memory_space<vmem>> -> memref<16x1024xf32, #tpu.memory_space<vmem>>
      tpu.enqueue_dma source(%dma_start3A_141 : memref<16x1024xf32, #tpu.memory_space<vmem>>) target(%dma_start3A_137 : memref<16x1024xf32, #tpu.memory_space<hbm>>) target_semaphore(%arg12 : memref<!tpu.dma_semaphore, #tpu.memory_space<semaphore_mem>>)
      %gt3A_142 = arith.constant 0 : i32
      %gt3A_143 = arith.cmpi sgt, %scan3A_59, %gt3A_142 : i32
      %convert_element_type3A_144 = arith.extui %gt3A_143 : i1 to i32
      %cond3A_145 = arith.constant 0 : i32
      %cond3A_146 = arith.cmpi ne, %convert_element_type3A_144, %cond3A_145 : i32
      scf.if %cond3A_146 {
        %sub3A_273 = arith.constant 2 : i32
        %sub3A_274 = arith.subi %add3A_112, %sub3A_273 : i32
        %mul3A_275 = arith.constant 16 : i32
        %mul3A_276 = arith.muli %sub3A_274, %mul3A_275 : i32
        %multiple_of3A_277 = tpu.assume_multiple %mul3A_276, 16 : i32
        %add3A_278 = arith.addi %mul3A_2, %multiple_of3A_277 : i32
        %dma_wait3A_279 = arith.constant 3 : i32
        %dma_wait3A_280 = arith.constant 0 : i32
        %dma_wait3A_281 = arith.constant 0 : i32
        %dma_wait3A_282 = tpu.memref_slice %arg6[%dma_wait3A_279, %dma_wait3A_280, %dma_wait3A_281] : memref<4x16x1024xf32, #tpu.memory_space<vmem>> -> memref<1x16x1024xf32, #tpu.memory_space<vmem>>
        %dma_wait3A_283 = tpu.memref_squeeze %dma_wait3A_282 : memref<1x16x1024xf32, #tpu.memory_space<vmem>> -> memref<16x1024xf32, #tpu.memory_space<vmem>>
        %dma_wait3A_284 = arith.constant 0 : i32
        %dma_wait3A_285 = tpu.memref_slice %arg4[%add3A_278, %dma_wait3A_284] : memref<32768x1024xf32, #tpu.memory_space<hbm>> -> memref<16x1024xf32, #tpu.memory_space<hbm>>
        %dma_wait3A_286 = arith.constant 0 : i32
        %dma_wait3A_287 = tpu.memref_slice %arg4[%add3A_278, %dma_wait3A_286] : memref<32768x1024xf32, #tpu.memory_space<hbm>> -> memref<16x1024xf32, #tpu.memory_space<hbm>>
        %dma_wait3A_288 = arith.constant 0 : i32
        %dma_wait3A_289 = arith.constant 0 : i32
        %dma_wait3A_290 = tpu.memref_slice %arg6[%dma_wait3A_279, %dma_wait3A_288, %dma_wait3A_289] : memref<4x16x1024xf32, #tpu.memory_space<vmem>> -> memref<1x16x1024xf32, #tpu.memory_space<vmem>>
        %dma_wait3A_291 = tpu.memref_squeeze %dma_wait3A_290 : memref<1x16x1024xf32, #tpu.memory_space<vmem>> -> memref<16x1024xf32, #tpu.memory_space<vmem>>
        tpu.wait_dma2 semaphore(%arg14 : memref<!tpu.dma_semaphore, #tpu.memory_space<semaphore_mem>>) src(%dma_wait3A_291 : memref<16x1024xf32, #tpu.memory_space<vmem>>) dst(%dma_wait3A_287 : memref<16x1024xf32, #tpu.memory_space<hbm>>)
      } else {
      }
      %add3A_147 = arith.constant 2 : i32
      %add3A_148 = arith.addi %add3A_112, %add3A_147 : i32
      %mul3A_149 = arith.constant 16 : i32
      %mul3A_150 = arith.muli %add3A_148, %mul3A_149 : i32
      %multiple_of3A_151 = tpu.assume_multiple %mul3A_150, 16 : i32
      %dma_start3A_152 = arith.constant 3 : i32
      %dma_start3A_153 = arith.constant 0 : i32
      %dma_start3A_154 = arith.constant 0 : i32
      %dma_start3A_155 = tpu.memref_slice %arg6[%dma_start3A_152, %dma_start3A_153, %dma_start3A_154] : memref<4x16x1024xf32, #tpu.memory_space<vmem>> -> memref<1x16x1024xf32, #tpu.memory_space<vmem>>
      %dma_start3A_156 = tpu.memref_squeeze %dma_start3A_155 : memref<1x16x1024xf32, #tpu.memory_space<vmem>> -> memref<16x1024xf32, #tpu.memory_space<vmem>>
      %dma_start3A_157 = tpu.memref_slice %arg5[%multiple_of3A_151] : memref<1024xi32, #tpu.memory_space<vmem>> -> memref<16xi32, #tpu.memory_space<vmem>>
      %dma_start3A_158 = arith.constant 0 : i32
      %dma_start3A_159 = arith.constant 0 : i32
      %dma_start3A_160 = tpu.memref_slice %arg2[%dma_start3A_158, %dma_start3A_159] : memref<8192x1024xf32, #tpu.memory_space<hbm>> -> memref<8192x1024xf32, #tpu.memory_space<hbm>>
      tpu.enqueue_indirect_dma source(%dma_start3A_160 : memref<8192x1024xf32, #tpu.memory_space<hbm>>) target(%dma_start3A_156 : memref<16x1024xf32, #tpu.memory_space<vmem>>) offsets(%dma_start3A_157 : memref<16xi32, #tpu.memory_space<vmem>>) semaphore(%arg10 : memref<!tpu.dma_semaphore, #tpu.memory_space<semaphore_mem>>)
      %mul3A_161 = arith.constant 4 : i32
      %mul3A_162 = arith.muli %scan3A_59, %mul3A_161 : i32
      %add3A_163 = arith.constant 2 : i32
      %add3A_164 = arith.addi %mul3A_162, %add3A_163 : i32
      %mul3A_165 = arith.constant 16 : i32
      %mul3A_166 = arith.muli %add3A_164, %mul3A_165 : i32
      %multiple_of3A_167 = tpu.assume_multiple %mul3A_166, 16 : i32
      %dma_wait3A_168 = arith.constant 2 : i32
      %dma_wait3A_169 = arith.constant 0 : i32
      %dma_wait3A_170 = arith.constant 0 : i32
      %dma_wait3A_171 = tpu.memref_slice %arg6[%dma_wait3A_168, %dma_wait3A_169, %dma_wait3A_170] : memref<4x16x1024xf32, #tpu.memory_space<vmem>> -> memref<1x16x1024xf32, #tpu.memory_space<vmem>>
      %dma_wait3A_172 = tpu.memref_squeeze %dma_wait3A_171 : memref<1x16x1024xf32, #tpu.memory_space<vmem>> -> memref<16x1024xf32, #tpu.memory_space<vmem>>
      %dma_wait3A_173 = tpu.memref_slice %arg5[%multiple_of3A_167] : memref<1024xi32, #tpu.memory_space<vmem>> -> memref<16xi32, #tpu.memory_space<vmem>>
      %dma_wait3A_174 = arith.constant 0 : i32
      %dma_wait3A_175 = arith.constant 0 : i32
      %dma_wait3A_176 = tpu.memref_slice %arg2[%dma_wait3A_174, %dma_wait3A_175] : memref<8192x1024xf32, #tpu.memory_space<hbm>> -> memref<8192x1024xf32, #tpu.memory_space<hbm>>
      tpu.wait_indirect_dma semaphore(%arg9 : memref<!tpu.dma_semaphore, #tpu.memory_space<semaphore_mem>>) src(%dma_wait3A_176 : memref<8192x1024xf32, #tpu.memory_space<hbm>>) dst(%dma_wait3A_172 : memref<16x1024xf32, #tpu.memory_space<vmem>>)
      %mul3A_177 = arith.constant 16 : i32
      %mul3A_178 = arith.muli %add3A_164, %mul3A_177 : i32
      %multiple_of3A_179 = tpu.assume_multiple %mul3A_178, 16 : i32
      %add3A_180 = arith.addi %mul3A_2, %multiple_of3A_179 : i32
      %dma_start3A_181 = arith.constant 2 : i32
      %dma_start3A_182 = arith.constant 0 : i32
      %dma_start3A_183 = arith.constant 0 : i32
      %dma_start3A_184 = tpu.memref_slice %arg6[%dma_start3A_181, %dma_start3A_182, %dma_start3A_183] : memref<4x16x1024xf32, #tpu.memory_space<vmem>> -> memref<1x16x1024xf32, #tpu.memory_space<vmem>>
      %dma_start3A_185 = tpu.memref_squeeze %dma_start3A_184 : memref<1x16x1024xf32, #tpu.memory_space<vmem>> -> memref<16x1024xf32, #tpu.memory_space<vmem>>
      %dma_start3A_186 = arith.constant 0 : i32
      %dma_start3A_187 = tpu.memref_slice %arg4[%add3A_180, %dma_start3A_186] : memref<32768x1024xf32, #tpu.memory_space<hbm>> -> memref<16x1024xf32, #tpu.memory_space<hbm>>
      %dma_start3A_188 = arith.constant 0 : i32
      %dma_start3A_189 = tpu.memref_slice %arg4[%add3A_180, %dma_start3A_188] : memref<32768x1024xf32, #tpu.memory_space<hbm>> -> memref<16x1024xf32, #tpu.memory_space<hbm>>
      %dma_start3A_190 = arith.constant 0 : i32
      %dma_start3A_191 = arith.constant 0 : i32
      %dma_start3A_192 = tpu.memref_slice %arg6[%dma_start3A_181, %dma_start3A_190, %dma_start3A_191] : memref<4x16x1024xf32, #tpu.memory_space<vmem>> -> memref<1x16x1024xf32, #tpu.memory_space<vmem>>
      %dma_start3A_193 = tpu.memref_squeeze %dma_start3A_192 : memref<1x16x1024xf32, #tpu.memory_space<vmem>> -> memref<16x1024xf32, #tpu.memory_space<vmem>>
      tpu.enqueue_dma source(%dma_start3A_193 : memref<16x1024xf32, #tpu.memory_space<vmem>>) target(%dma_start3A_189 : memref<16x1024xf32, #tpu.memory_space<hbm>>) target_semaphore(%arg13 : memref<!tpu.dma_semaphore, #tpu.memory_space<semaphore_mem>>)
      %sub3A = arith.constant 2 : i32
      %sub3A_194 = arith.subi %add3A_164, %sub3A : i32
      %mul3A_195 = arith.constant 16 : i32
      %mul3A_196 = arith.muli %sub3A_194, %mul3A_195 : i32
      %multiple_of3A_197 = tpu.assume_multiple %mul3A_196, 16 : i32
      %add3A_198 = arith.addi %mul3A_2, %multiple_of3A_197 : i32
      %dma_wait3A_199 = arith.constant 0 : i32
      %dma_wait3A_200 = arith.constant 0 : i32
      %dma_wait3A_201 = arith.constant 0 : i32
      %dma_wait3A_202 = tpu.memref_slice %arg6[%dma_wait3A_199, %dma_wait3A_200, %dma_wait3A_201] : memref<4x16x1024xf32, #tpu.memory_space<vmem>> -> memref<1x16x1024xf32, #tpu.memory_space<vmem>>
      %dma_wait3A_203 = tpu.memref_squeeze %dma_wait3A_202 : memref<1x16x1024xf32, #tpu.memory_space<vmem>> -> memref<16x1024xf32, #tpu.memory_space<vmem>>
      %dma_wait3A_204 = arith.constant 0 : i32
      %dma_wait3A_205 = tpu.memref_slice %arg4[%add3A_198, %dma_wait3A_204] : memref<32768x1024xf32, #tpu.memory_space<hbm>> -> memref<16x1024xf32, #tpu.memory_space<hbm>>
      %dma_wait3A_206 = arith.constant 0 : i32
      %dma_wait3A_207 = tpu.memref_slice %arg4[%add3A_198, %dma_wait3A_206] : memref<32768x1024xf32, #tpu.memory_space<hbm>> -> memref<16x1024xf32, #tpu.memory_space<hbm>>
      %dma_wait3A_208 = arith.constant 0 : i32
      %dma_wait3A_209 = arith.constant 0 : i32
      %dma_wait3A_210 = tpu.memref_slice %arg6[%dma_wait3A_199, %dma_wait3A_208, %dma_wait3A_209] : memref<4x16x1024xf32, #tpu.memory_space<vmem>> -> memref<1x16x1024xf32, #tpu.memory_space<vmem>>
      %dma_wait3A_211 = tpu.memref_squeeze %dma_wait3A_210 : memref<1x16x1024xf32, #tpu.memory_space<vmem>> -> memref<16x1024xf32, #tpu.memory_space<vmem>>
      tpu.wait_dma2 semaphore(%arg11 : memref<!tpu.dma_semaphore, #tpu.memory_space<semaphore_mem>>) src(%dma_wait3A_211 : memref<16x1024xf32, #tpu.memory_space<vmem>>) dst(%dma_wait3A_207 : memref<16x1024xf32, #tpu.memory_space<hbm>>)
      %lt3A = arith.constant 15 : i32
      %lt3A_212 = arith.cmpi slt, %scan3A_59, %lt3A : i32
      %convert_element_type3A_213 = arith.extui %lt3A_212 : i1 to i32
      %cond3A_214 = arith.constant 0 : i32
      %cond3A_215 = arith.cmpi ne, %convert_element_type3A_213, %cond3A_214 : i32
      scf.if %cond3A_215 {
        %add3A_273 = arith.constant 2 : i32
        %add3A_274 = arith.addi %add3A_164, %add3A_273 : i32
        %mul3A_275 = arith.constant 16 : i32
        %mul3A_276 = arith.muli %add3A_274, %mul3A_275 : i32
        %multiple_of3A_277 = tpu.assume_multiple %mul3A_276, 16 : i32
        %dma_start3A_278 = arith.constant 0 : i32
        %dma_start3A_279 = arith.constant 0 : i32
        %dma_start3A_280 = arith.constant 0 : i32
        %dma_start3A_281 = tpu.memref_slice %arg6[%dma_start3A_278, %dma_start3A_279, %dma_start3A_280] : memref<4x16x1024xf32, #tpu.memory_space<vmem>> -> memref<1x16x1024xf32, #tpu.memory_space<vmem>>
        %dma_start3A_282 = tpu.memref_squeeze %dma_start3A_281 : memref<1x16x1024xf32, #tpu.memory_space<vmem>> -> memref<16x1024xf32, #tpu.memory_space<vmem>>
        %dma_start3A_283 = tpu.memref_slice %arg5[%multiple_of3A_277] : memref<1024xi32, #tpu.memory_space<vmem>> -> memref<16xi32, #tpu.memory_space<vmem>>
        %dma_start3A_284 = arith.constant 0 : i32
        %dma_start3A_285 = arith.constant 0 : i32
        %dma_start3A_286 = tpu.memref_slice %arg2[%dma_start3A_284, %dma_start3A_285] : memref<8192x1024xf32, #tpu.memory_space<hbm>> -> memref<8192x1024xf32, #tpu.memory_space<hbm>>
        tpu.enqueue_indirect_dma source(%dma_start3A_286 : memref<8192x1024xf32, #tpu.memory_space<hbm>>) target(%dma_start3A_282 : memref<16x1024xf32, #tpu.memory_space<vmem>>) offsets(%dma_start3A_283 : memref<16xi32, #tpu.memory_space<vmem>>) semaphore(%arg7 : memref<!tpu.dma_semaphore, #tpu.memory_space<semaphore_mem>>)
      } else {
      }
      %mul3A_216 = arith.constant 4 : i32
      %mul3A_217 = arith.muli %scan3A_59, %mul3A_216 : i32
      %add3A_218 = arith.constant 3 : i32
      %add3A_219 = arith.addi %mul3A_217, %add3A_218 : i32
      %mul3A_220 = arith.constant 16 : i32
      %mul3A_221 = arith.muli %add3A_219, %mul3A_220 : i32
      %multiple_of3A_222 = tpu.assume_multiple %mul3A_221, 16 : i32
      %dma_wait3A_223 = arith.constant 3 : i32
      %dma_wait3A_224 = arith.constant 0 : i32
      %dma_wait3A_225 = arith.constant 0 : i32
      %dma_wait3A_226 = tpu.memref_slice %arg6[%dma_wait3A_223, %dma_wait3A_224, %dma_wait3A_225] : memref<4x16x1024xf32, #tpu.memory_space<vmem>> -> memref<1x16x1024xf32, #tpu.memory_space<vmem>>
      %dma_wait3A_227 = tpu.memref_squeeze %dma_wait3A_226 : memref<1x16x1024xf32, #tpu.memory_space<vmem>> -> memref<16x1024xf32, #tpu.memory_space<vmem>>
      %dma_wait3A_228 = tpu.memref_slice %arg5[%multiple_of3A_222] : memref<1024xi32, #tpu.memory_space<vmem>> -> memref<16xi32, #tpu.memory_space<vmem>>
      %dma_wait3A_229 = arith.constant 0 : i32
      %dma_wait3A_230 = arith.constant 0 : i32
      %dma_wait3A_231 = tpu.memref_slice %arg2[%dma_wait3A_229, %dma_wait3A_230] : memref<8192x1024xf32, #tpu.memory_space<hbm>> -> memref<8192x1024xf32, #tpu.memory_space<hbm>>
      tpu.wait_indirect_dma semaphore(%arg10 : memref<!tpu.dma_semaphore, #tpu.memory_space<semaphore_mem>>) src(%dma_wait3A_231 : memref<8192x1024xf32, #tpu.memory_space<hbm>>) dst(%dma_wait3A_227 : memref<16x1024xf32, #tpu.memory_space<vmem>>)
      %mul3A_232 = arith.constant 16 : i32
      %mul3A_233 = arith.muli %add3A_219, %mul3A_232 : i32
      %multiple_of3A_234 = tpu.assume_multiple %mul3A_233, 16 : i32
      %add3A_235 = arith.addi %mul3A_2, %multiple_of3A_234 : i32
      %dma_start3A_236 = arith.constant 3 : i32
      %dma_start3A_237 = arith.constant 0 : i32
      %dma_start3A_238 = arith.constant 0 : i32
      %dma_start3A_239 = tpu.memref_slice %arg6[%dma_start3A_236, %dma_start3A_237, %dma_start3A_238] : memref<4x16x1024xf32, #tpu.memory_space<vmem>> -> memref<1x16x1024xf32, #tpu.memory_space<vmem>>
      %dma_start3A_240 = tpu.memref_squeeze %dma_start3A_239 : memref<1x16x1024xf32, #tpu.memory_space<vmem>> -> memref<16x1024xf32, #tpu.memory_space<vmem>>
      %dma_start3A_241 = arith.constant 0 : i32
      %dma_start3A_242 = tpu.memref_slice %arg4[%add3A_235, %dma_start3A_241] : memref<32768x1024xf32, #tpu.memory_space<hbm>> -> memref<16x1024xf32, #tpu.memory_space<hbm>>
      %dma_start3A_243 = arith.constant 0 : i32
      %dma_start3A_244 = tpu.memref_slice %arg4[%add3A_235, %dma_start3A_243] : memref<32768x1024xf32, #tpu.memory_space<hbm>> -> memref<16x1024xf32, #tpu.memory_space<hbm>>
      %dma_start3A_245 = arith.constant 0 : i32
      %dma_start3A_246 = arith.constant 0 : i32
      %dma_start3A_247 = tpu.memref_slice %arg6[%dma_start3A_236, %dma_start3A_245, %dma_start3A_246] : memref<4x16x1024xf32, #tpu.memory_space<vmem>> -> memref<1x16x1024xf32, #tpu.memory_space<vmem>>
      %dma_start3A_248 = tpu.memref_squeeze %dma_start3A_247 : memref<1x16x1024xf32, #tpu.memory_space<vmem>> -> memref<16x1024xf32, #tpu.memory_space<vmem>>
      tpu.enqueue_dma source(%dma_start3A_248 : memref<16x1024xf32, #tpu.memory_space<vmem>>) target(%dma_start3A_244 : memref<16x1024xf32, #tpu.memory_space<hbm>>) target_semaphore(%arg14 : memref<!tpu.dma_semaphore, #tpu.memory_space<semaphore_mem>>)
      %sub3A_249 = arith.constant 2 : i32
      %sub3A_250 = arith.subi %add3A_219, %sub3A_249 : i32
      %mul3A_251 = arith.constant 16 : i32
      %mul3A_252 = arith.muli %sub3A_250, %mul3A_251 : i32
      %multiple_of3A_253 = tpu.assume_multiple %mul3A_252, 16 : i32
      %add3A_254 = arith.addi %mul3A_2, %multiple_of3A_253 : i32
      %dma_wait3A_255 = arith.constant 1 : i32
      %dma_wait3A_256 = arith.constant 0 : i32
      %dma_wait3A_257 = arith.constant 0 : i32
      %dma_wait3A_258 = tpu.memref_slice %arg6[%dma_wait3A_255, %dma_wait3A_256, %dma_wait3A_257] : memref<4x16x1024xf32, #tpu.memory_space<vmem>> -> memref<1x16x1024xf32, #tpu.memory_space<vmem>>
      %dma_wait3A_259 = tpu.memref_squeeze %dma_wait3A_258 : memref<1x16x1024xf32, #tpu.memory_space<vmem>> -> memref<16x1024xf32, #tpu.memory_space<vmem>>
      %dma_wait3A_260 = arith.constant 0 : i32
      %dma_wait3A_261 = tpu.memref_slice %arg4[%add3A_254, %dma_wait3A_260] : memref<32768x1024xf32, #tpu.memory_space<hbm>> -> memref<16x1024xf32, #tpu.memory_space<hbm>>
      %dma_wait3A_262 = arith.constant 0 : i32
      %dma_wait3A_263 = tpu.memref_slice %arg4[%add3A_254, %dma_wait3A_262] : memref<32768x1024xf32, #tpu.memory_space<hbm>> -> memref<16x1024xf32, #tpu.memory_space<hbm>>
      %dma_wait3A_264 = arith.constant 0 : i32
      %dma_wait3A_265 = arith.constant 0 : i32
      %dma_wait3A_266 = tpu.memref_slice %arg6[%dma_wait3A_255, %dma_wait3A_264, %dma_wait3A_265] : memref<4x16x1024xf32, #tpu.memory_space<vmem>> -> memref<1x16x1024xf32, #tpu.memory_space<vmem>>
      %dma_wait3A_267 = tpu.memref_squeeze %dma_wait3A_266 : memref<1x16x1024xf32, #tpu.memory_space<vmem>> -> memref<16x1024xf32, #tpu.memory_space<vmem>>
      tpu.wait_dma2 semaphore(%arg12 : memref<!tpu.dma_semaphore, #tpu.memory_space<semaphore_mem>>) src(%dma_wait3A_267 : memref<16x1024xf32, #tpu.memory_space<vmem>>) dst(%dma_wait3A_263 : memref<16x1024xf32, #tpu.memory_space<hbm>>)
      %lt3A_268 = arith.constant 15 : i32
      %lt3A_269 = arith.cmpi slt, %scan3A_59, %lt3A_268 : i32
      %convert_element_type3A_270 = arith.extui %lt3A_269 : i1 to i32
      %cond3A_271 = arith.constant 0 : i32
      %cond3A_272 = arith.cmpi ne, %convert_element_type3A_270, %cond3A_271 : i32
      scf.if %cond3A_272 {
        %add3A_273 = arith.constant 2 : i32
        %add3A_274 = arith.addi %add3A_219, %add3A_273 : i32
        %mul3A_275 = arith.constant 16 : i32
        %mul3A_276 = arith.muli %add3A_274, %mul3A_275 : i32
        %multiple_of3A_277 = tpu.assume_multiple %mul3A_276, 16 : i32
        %dma_start3A_278 = arith.constant 1 : i32
        %dma_start3A_279 = arith.constant 0 : i32
        %dma_start3A_280 = arith.constant 0 : i32
        %dma_start3A_281 = tpu.memref_slice %arg6[%dma_start3A_278, %dma_start3A_279, %dma_start3A_280] : memref<4x16x1024xf32, #tpu.memory_space<vmem>> -> memref<1x16x1024xf32, #tpu.memory_space<vmem>>
        %dma_start3A_282 = tpu.memref_squeeze %dma_start3A_281 : memref<1x16x1024xf32, #tpu.memory_space<vmem>> -> memref<16x1024xf32, #tpu.memory_space<vmem>>
        %dma_start3A_283 = tpu.memref_slice %arg5[%multiple_of3A_277] : memref<1024xi32, #tpu.memory_space<vmem>> -> memref<16xi32, #tpu.memory_space<vmem>>
        %dma_start3A_284 = arith.constant 0 : i32
        %dma_start3A_285 = arith.constant 0 : i32
        %dma_start3A_286 = tpu.memref_slice %arg2[%dma_start3A_284, %dma_start3A_285] : memref<8192x1024xf32, #tpu.memory_space<hbm>> -> memref<8192x1024xf32, #tpu.memory_space<hbm>>
        tpu.enqueue_indirect_dma source(%dma_start3A_286 : memref<8192x1024xf32, #tpu.memory_space<hbm>>) target(%dma_start3A_282 : memref<16x1024xf32, #tpu.memory_space<vmem>>) offsets(%dma_start3A_283 : memref<16xi32, #tpu.memory_space<vmem>>) semaphore(%arg8 : memref<!tpu.dma_semaphore, #tpu.memory_space<semaphore_mem>>)
      } else {
      }
    }
    %scan3A_27 = arith.constant 16 : i32
    %multiple_of3A_28 = arith.constant 992 : i32
    %multiple_of3A_29 = tpu.assume_multiple %multiple_of3A_28, 16 : i32
    %add3A_30 = arith.addi %mul3A_2, %multiple_of3A_29 : i32
    %dma_wait3A = arith.constant 2 : i32
    %dma_wait3A_31 = arith.constant 0 : i32
    %dma_wait3A_32 = arith.constant 0 : i32
    %dma_wait3A_33 = tpu.memref_slice %arg6[%dma_wait3A, %dma_wait3A_31, %dma_wait3A_32] : memref<4x16x1024xf32, #tpu.memory_space<vmem>> -> memref<1x16x1024xf32, #tpu.memory_space<vmem>>
    %dma_wait3A_34 = tpu.memref_squeeze %dma_wait3A_33 : memref<1x16x1024xf32, #tpu.memory_space<vmem>> -> memref<16x1024xf32, #tpu.memory_space<vmem>>
    %dma_wait3A_35 = arith.constant 0 : i32
    %dma_wait3A_36 = tpu.memref_slice %arg4[%add3A_30, %dma_wait3A_35] : memref<32768x1024xf32, #tpu.memory_space<hbm>> -> memref<16x1024xf32, #tpu.memory_space<hbm>>
    %dma_wait3A_37 = arith.constant 0 : i32
    %dma_wait3A_38 = tpu.memref_slice %arg4[%add3A_30, %dma_wait3A_37] : memref<32768x1024xf32, #tpu.memory_space<hbm>> -> memref<16x1024xf32, #tpu.memory_space<hbm>>
    %dma_wait3A_39 = arith.constant 0 : i32
    %dma_wait3A_40 = arith.constant 0 : i32
    %dma_wait3A_41 = tpu.memref_slice %arg6[%dma_wait3A, %dma_wait3A_39, %dma_wait3A_40] : memref<4x16x1024xf32, #tpu.memory_space<vmem>> -> memref<1x16x1024xf32, #tpu.memory_space<vmem>>
    %dma_wait3A_42 = tpu.memref_squeeze %dma_wait3A_41 : memref<1x16x1024xf32, #tpu.memory_space<vmem>> -> memref<16x1024xf32, #tpu.memory_space<vmem>>
    tpu.wait_dma2 semaphore(%arg13 : memref<!tpu.dma_semaphore, #tpu.memory_space<semaphore_mem>>) src(%dma_wait3A_42 : memref<16x1024xf32, #tpu.memory_space<vmem>>) dst(%dma_wait3A_38 : memref<16x1024xf32, #tpu.memory_space<hbm>>)
    %multiple_of3A_43 = arith.constant 1008 : i32
    %multiple_of3A_44 = tpu.assume_multiple %multiple_of3A_43, 16 : i32
    %add3A_45 = arith.addi %mul3A_2, %multiple_of3A_44 : i32
    %dma_wait3A_46 = arith.constant 3 : i32
    %dma_wait3A_47 = arith.constant 0 : i32
    %dma_wait3A_48 = arith.constant 0 : i32
    %dma_wait3A_49 = tpu.memref_slice %arg6[%dma_wait3A_46, %dma_wait3A_47, %dma_wait3A_48] : memref<4x16x1024xf32, #tpu.memory_space<vmem>> -> memref<1x16x1024xf32, #tpu.memory_space<vmem>>
    %dma_wait3A_50 = tpu.memref_squeeze %dma_wait3A_49 : memref<1x16x1024xf32, #tpu.memory_space<vmem>> -> memref<16x1024xf32, #tpu.memory_space<vmem>>
    %dma_wait3A_51 = arith.constant 0 : i32
    %dma_wait3A_52 = tpu.memref_slice %arg4[%add3A_45, %dma_wait3A_51] : memref<32768x1024xf32, #tpu.memory_space<hbm>> -> memref<16x1024xf32, #tpu.memory_space<hbm>>
    %dma_wait3A_53 = arith.constant 0 : i32
    %dma_wait3A_54 = tpu.memref_slice %arg4[%add3A_45, %dma_wait3A_53] : memref<32768x1024xf32, #tpu.memory_space<hbm>> -> memref<16x1024xf32, #tpu.memory_space<hbm>>
    %dma_wait3A_55 = arith.constant 0 : i32
    %dma_wait3A_56 = arith.constant 0 : i32
    %dma_wait3A_57 = tpu.memref_slice %arg6[%dma_wait3A_46, %dma_wait3A_55, %dma_wait3A_56] : memref<4x16x1024xf32, #tpu.memory_space<vmem>> -> memref<1x16x1024xf32, #tpu.memory_space<vmem>>
    %dma_wait3A_58 = tpu.memref_squeeze %dma_wait3A_57 : memref<1x16x1024xf32, #tpu.memory_space<vmem>> -> memref<16x1024xf32, #tpu.memory_space<vmem>>
    tpu.wait_dma2 semaphore(%arg14 : memref<!tpu.dma_semaphore, #tpu.memory_space<semaphore_mem>>) src(%dma_wait3A_58 : memref<16x1024xf32, #tpu.memory_space<vmem>>) dst(%dma_wait3A_54 : memref<16x1024xf32, #tpu.memory_space<hbm>>)
    return
  }
}

</mosaic_0001>

<sc_bundles>
// kernel: _abs_pos.3.cloned.1.call-start
scs
__scs_entry_jumppad:
0x0: {  	(pc) =	sbr.rel $0x88, $3  }
0x1: {  	(tag) =	ssettag $0x0;
	lr =	simm.s32 $0x1  }
0x2: {  	[smem:$0x3F9F] =	sst lr;
	_ =	strace $0xD0000000  }
0x3: {  	_ = 	snop  }
0x4: {  	_ = 	snop  }
0x5: {  	_ = 	snop  }
0x6: {  	_ = 	snop  }
0x7: {  	_ = 	snop  }
__scs_overlays_trampoline_lowered:
0x8: {  	[smem:$0x3FAE] =	sst s0  }
0x9: {  	[smem:$0x3FAF] =	sst s1  }
0xa: {  	[smem:$0x3FB0] =	sst s2  }
0xb: {  	[smem:$0x3FB1] =	sst s3  }
0xc: {  	[smem:$0x3FB2] =	sst s4  }
0xd: {  	[smem:$0x3FB3] =	sst s5  }
0xe: {  	[smem:$0x3FB4] =	sst s6  }
0xf: {  	[smem:$0x3FB5] =	sst s7  }
0x10: {  	[smem:$0x3FB6] =	sst s8  }
0x11: {  	[smem:$0x3FB7] =	sst s9;
	s0 =	simm.s32 @!p0 $0x0  }
0x12: {  	s1 =	sld [smem:$0x3F9D];
	s0 =	simm.s32 @p0 $0x1  }
0x13: {  	[smem:$0x3FB8] =	sst s0;
	s0 =	simm.s32 @!p1 $0x0  }
0x14: {  	s2 =	sld [smem:$0x3F9C];
	s0 =	simm.s32 @p1 $0x1  }
0x15: {  	[smem:$0x3FB9] =	sst s0;
	s0 =	simm.s32 @!p2 $0x0  }
0x16: {  	s3 =	sld [smem:$0x3FDB];
	s0 =	simm.s32 @p2 $0x1  }
0x17: {  	s4 =	simm.s32 $0x1BF5;
	[smem:$0x3FBB] =	sst s0  }
0x18: {  	s0 =	sld [smem:$0x3F9E];
	_ =	swait.ge [sflag:s4], $0x0  }
0x19: {  	s7 =	sld [smem:$0x3F9F]  }
0x1a: {  	s8 =	sadd.s32 $0xFFFFE003, lr  }
0x1b: {  	s9 =	sadd.s32 $0xFFFFFEF7, lr;
	s5 =	simm.s32 $0xFFFFFFFF;
	p2 =	slt.u32 s8, $0xFFFFF086  }
0x1c: {  	p1 =	slt.u32 s9, $0xF7A;
	s5 =	simm.s32 @!p2 $0x0  }
0x1d: {  	s5 =	simm.s32 @p1 $0x1;
	p0 =	seq.s32 s7, s2  }
0x1e: {  	s7 =	smul.u32 @!p0 $0xF7A, s2;
	p2 =	seq.s32 @!p0 s5, $0x0  }
0x1f: {  	s9 =	smul.u32 $0xF7A, s1;
	s8 =	simm.s32 @!p0 $0x1BF5;
	p2 =	por !p2, p0  }
0x20: {  	[sflag:s8] =	ssyncset.s32 @!p0 $0xFFFFF086;
	s6 =	sadd.s32 @!p0 s3, s7;
	s7 =	simm.s32 @!p0 $0x108  }
0x21: {  	s3 =	sadd.s32 s3, s9;
	s6 =	sadd.s32 @!p0 $0x88, s6;
	s7 =	simm.s32 @p2 $0x1082  }
0x22: {  	[simem:s7], [sflag:s8] =	dma.local @!p0 [hbm:s6], $0xF7A  }
0x23: {  	s9 =	sor.u32 $0xD0000000, s2;
	s6 =	simm.s32 $0x108;
	_ =	swait.ge @!p0 [sflag:s8], $0x0  }
0x24: {  	s3 =	sadd.s32 $0x88, s3;
	s6 =	simm.s32 @!p1 $0x1082;
	[sflag:s4] =	ssyncset.s32 $0xFFFFF086  }
0x25: {  	[simem:s6], [sflag:s4] =	dma.local [hbm:s3], $0xF7A  }
0x26: {  	[smem:$0x3F9F] =	sst s1;
	(tag) =	ssettag s2;
	_ =	strace s9  }
0x27: {  	s1 =	sld [smem:$0x3FAF]  }
0x28: {  	s2 =	sld [smem:$0x3FB0]  }
0x29: {  	s4 =	sld [smem:$0x3FB2]  }
0x2a: {  	p0 =	seq.s32 s5, $0x0;
	s5 =	sld [smem:$0x3FB3]  }
0x2b: {  	s6 =	sld [smem:$0x3FB4]  }
0x2c: {  	s7 =	sld [smem:$0x3FB5]  }
0x2d: {  	s3 =	simm.s32 $0x108;
	s8 =	sld [smem:$0x3FB6]  }
0x2e: {  	s3 =	simm.s32 @!p0 $0x1082;
	s9 =	sld [smem:$0x3FB7]  }
0x2f: {  	lr =	sadd.s32 s0, s3;
	s0 =	sld [smem:$0x3FAE]  }
0x30: {  	s3 =	sld [smem:$0x3FB1]  }
0x31: {  	[smem:$0x3FBA] =	sst s10  }
0x32: {  	s10 =	sld [smem:$0x3FB8];
	_ =	sdelay $0x3  }
0x33: {  	p0 =	seq.s32 s10, $0x1;
	s10 =	sld [smem:$0x3FBA];
	_ =	sdelay $0x3  }
0x34: {  	[smem:$0x3FBA] =	sst s10  }
0x35: {  	s10 =	sld [smem:$0x3FB9];
	_ =	sdelay $0x3  }
0x36: {  	p1 =	seq.s32 s10, $0x1;
	s10 =	sld [smem:$0x3FBA];
	_ =	sdelay $0x3  }
0x37: {  	[smem:$0x3FBA] =	sst s10  }
0x38: {  	s10 =	sld [smem:$0x3FBB]  }
0x39: {  	_ = 	snop;
	(pc) =	sbr.ind lr, $3  }
0x3a: {  	_ = 	snop  }
0x3b: {  	_ = 	snop  }
0x3c: {  	p2 =	seq.s32 s10, $0x1;
	s10 =	sld [smem:$0x3FBA]  }
0x3d: {  	_ =	shalt  }
0x3e: {  	_ =	shalt  }
0x3f: {  	_ =	shalt  }
0x40: {  	_ =	shalt  }
0x41: {  	_ =	shalt  }
0x42: {  	_ =	shalt  }
0x43: {  	_ =	shalt  }
0x44: {  	_ =	shalt  }
0x45: {  	_ =	shalt  }
0x46: {  	_ =	shalt  }
0x47: {  	_ =	shalt  }
0x48: {  	_ =	shalt  }
0x49: {  	_ =	shalt  }
0x4a: {  	_ =	shalt  }
0x4b: {  	_ =	shalt  }
0x4c: {  	_ =	shalt  }
0x4d: {  	_ =	shalt  }
0x4e: {  	_ =	shalt  }
0x4f: {  	_ =	shalt  }
0x50: {  	_ =	shalt  }
0x51: {  	_ =	shalt  }
0x52: {  	_ =	shalt  }
0x53: {  	_ =	shalt  }
0x54: {  	_ =	shalt  }
0x55: {  	_ =	shalt  }
0x56: {  	_ =	shalt  }
0x57: {  	_ =	shalt  }
0x58: {  	_ =	shalt  }
0x59: {  	_ =	shalt  }
0x5a: {  	_ =	shalt  }
0x5b: {  	_ =	shalt  }
0x5c: {  	_ =	shalt  }
0x5d: {  	_ =	shalt  }
0x5e: {  	_ =	shalt  }
0x5f: {  	_ =	shalt  }
0x60: {  	_ =	shalt  }
0x61: {  	_ =	shalt  }
0x62: {  	_ =	shalt  }
0x63: {  	_ =	shalt  }
0x64: {  	_ =	shalt  }
0x65: {  	_ =	shalt  }
0x66: {  	_ =	shalt  }
0x67: {  	_ =	shalt  }
0x68: {  	_ =	shalt  }
0x69: {  	_ =	shalt  }
0x6a: {  	_ =	shalt  }
0x6b: {  	_ =	shalt  }
0x6c: {  	_ =	shalt  }
0x6d: {  	_ =	shalt  }
0x6e: {  	_ =	shalt  }
0x6f: {  	_ =	shalt  }
0x70: {  	_ =	shalt  }
0x71: {  	_ =	shalt  }
0x72: {  	_ =	shalt  }
0x73: {  	_ =	shalt  }
0x74: {  	_ =	shalt  }
0x75: {  	_ =	shalt  }
0x76: {  	_ =	shalt  }
0x77: {  	_ =	shalt  }
0x78: {  	_ =	shalt  }
0x79: {  	_ =	shalt  }
0x7a: {  	_ =	shalt  }
0x7b: {  	_ =	shalt  }
0x7c: {  	_ =	shalt  }
0x7d: {  	_ =	shalt  }
0x7e: {  	_ =	shalt  }
0x7f: {  	_ =	shalt  }
0x80: {  	_ =	shalt  }
0x81: {  	_ =	shalt  }
0x82: {  	_ =	shalt  }
0x83: {  	_ =	shalt  }
0x84: {  	_ =	shalt  }
0x85: {  	_ =	shalt  }
0x86: {  	_ =	shalt  }
0x87: {  	_ =	shalt  }
.Lfunc_end0:
.L_simem_size_0:
called_computation_lowered:
.L_overlay_start_0:
0x88: {  	s2 =	sld [smem:$0x3FD9]  }
0x89: {  	s3 =	sld [smem:$0x3FFE];
	_ =	sdelay $0x1  }
0x8a: {  	s1 =	srdreg.scid  }
0x8b: {  	s0 =	sand.u32 $0x1, s1  }
0x8c: {  	s17 =	sshll.u32 s0, $0xA;
	s2 =	sadd.s32 s3, s2  }
0x8d: {  	s2 =	sadd.s32 s2, s17  }
0x8e: {  	[smem:$0x3FC6] =	sst s2  }
0x8f: {  	_ = 	snop  }
0x90: {  	s2 =	sld [smem:$0x3FC8]  }
0x91: {  	s18 =	sld [smem:$0x3FD0];
	(tm) =	ssettm $0x1  }
0x92: {  	s4 =	sld [smem:$0x3FFB];
	_ =	sdelay $0x3  }
0x93: {  	_ =	strace s4  }
0x94: {  	s4 =	sld [smem:$0x3FFC];
	_ =	sdelay $0x3  }
0x95: {  	_ =	strace s4  }
0x96: {  	s4 =	sld [smem:$0x3FFD];
	_ =	sdelay $0x3  }
0x97: {  	_ =	strace s4  }
0x98: {  	_ =	strace $0x8FFFFFFF  }
0x99: {  	s19 =	sld [smem:$0x3FDB];
	_ =	sdelay $0x1  }
0x9a: {  	s5 =	simm.s32 $_scs_section_size  }
0x9b: {  	s6 =	simm.s32 $_size__tile_overlayer_lowered;
	s7 =	simm.s32 $_tile_overlayer_lowered  }
0x9c: {  	s22 =	simm.s32 $0x1BFF;
	s21 =	sshll.u32 s7, $0x1;
	s4 =	sadd.s32 s5, s19  }
0x9d: {  	s8 =	simm.s32 $0x0;
	s20 =	sshll.u32 s6, $0x1;
	s6 =	sadd.s32 s21, s4  }
0x9e: {  	[timem:s8], [sflag:s22] =	dma.local [hbm:s6], s20  }
0x9f: {  	_ =	swait.ge [sflag:s22], s20  }
0xa0: {  	s5 =	ssub.s32 $0x0, s20;
	[sflag:s22] =	ssyncset.done $0x0  }
0xa1: {  	[sflag:s22] =	ssyncadd.s32 s5;
	_ =	sdelay $0x1  }
0xa2: {  	s23 =	simm.s32 $0x1B8B  }
0xa3: {  	_ =	swait.ge [sflag:s23], $0x1  }
0xa4: {  	[sflag:s23] =	ssyncset.done $0x0  }
0xa5: {  	s25 =	simm.s32 $0x1B8E;
	s24 =	sld [smem:$0x3FFE];
	[sflag:s23] =	ssyncadd.s32 $0xFFFFFFFF  }
0xa6: {  	s26 =	simm.s32 $execute0_lowered;
	[smem:$0x3FD2] =	sst s25  }
0xa7: {  	s6 =	sshll.u32 s26, $0x1;
	_ =	strace $0x80000046;
	[dreg:$0x1] =	wrdreg $0xFFFFFFFF  }
0xa8: {  	s28 =	simm.s32 $_size_execute0_lowered;
	s4 =	sadd.s32 s4, s6;
	[dreg:$0x0] =	wrdreg $0x0  }
0xa9: {  	s6 =	sshll.u32 s28, $0x1;
	[dreg:$0x2] =	wrdreg s4  }
0xaa: {  	[dreg:$0x3] =	wrdreg s6  }
0xab: {  	[dreg:$0x4] =	wrdreg $0xC0  }
0xac: {  	_ =	task [dreg:s8], $0x5FFFF  }
0xad: {  	[dreg:$0x1] =	wrdreg $0xFFFFFFFF  }
0xae: {  	[dreg:$0x0] =	wrdreg $0x60  }
0xaf: {  	[dreg:$0x2] =	wrdreg s2  }
0xb0: {  	[dreg:$0x3] =	wrdreg s24  }
0xb1: {  	[dreg:$0x4] =	wrdreg s18  }
0xb2: {  	[dreg:$0x5] =	wrdreg $0x9  }
0xb3: {  	_ =	task.clear_ibuf [dreg:s8], $0x6FFFF;
	_ =	strace $0x90000046  }
0xb4: {  	s29 =	simm.s32 $0x9;
	_ =	strace $0x80000048  }
0xb5: {  	_ =	swait.ge [sflag:s29], $0x1  }
0xb6: {  	[sflag:s29] =	ssyncadd.s32 $0xFFFFFFFF  }
0xb7: {  	_ =	strace $0x90000048  }
0xb8: {  	_ =	sfence  }
0xb9: {  	s30 =	sld [smem:$0x0];
	_ =	sdelay $0x2  }
0xba: {  	s31 =	sshll.u32 s1, $0xD;
	s1 =	sshrl.u32 s1, $0x2  }
0xbb: {  	s3 =	sand.u32 $0x4000, s31;
	s1 =	sadd.s32 s1, s30  }
0xbc: {  	s0 =	sor.u32 s3, s0;
	s1 =	sshll.u32 s1, $0x11  }
0xbd: {  	s0 =	sor.u32 s1, s0  }
0xbe: {  	s0 =	sadd.s32 $0x8F2B, s0  }
0xbf: {  	[sflag:s0] =	ssyncadd.remote.s32 $0x1  }
0xc0: {  	_ =	sfence.sel $0xFFFF  }
0xc1: {  	[dreg:$0x0] =	wrdreg $0xFFFFFFFF;
	(pc) =	sbr.abs _section_cstart, $3  }
0xc2: {  	[dreg:$0x1] =	wrdreg $0xFFFFFFFF  }
0xc3: {  	_ =	task.clear_ibuf [dreg:s8], $0x2FFFF;
	_ =	strace $0x9FFFFFFF  }
0xc4: {  	(tm) =	ssettm $0x7FFFFFFF  }
0xc5: {  	_ =	shalt  }
tec
execute0_lowered:
.L_overlay_start_1:
0x0: {  	(tag) =	ssettag $0x1  }
0x1: {  	s2 =	rddreg [dreg:$0x0]  }
0x2: {  	s0 =	rddreg [dreg:$0x1];
	s1 =	srdreg.scid  }
0x3: {  	s4 =	rddreg [dreg:$0x2];
	s9 =	stileid.u32  }
0x4: {  	s3 =	simm.s32 $0x0;
	s19 =	simm.s32 $0x4400;
	s28 =	simm.s32 $0x1  }
0x5: {  	s29 =	simm.s32 $0x8400;
	s12 =	simm.s32 $0xAC00;
	s13 =	simm.s32 $0xB400  }
0x6: {  	s14 =	simm.s32 $0xBC00;
	s15 =	simm.s32 $0x2;
	s16 =	simm.s32 $0xC400  }
0x7: {  	s17 =	simm.s32 $0xCC00;
	s18 =	simm.s32 $0xD400;
	s10 =	simm.s32 $0xEC00  }
0x8: {  	s11 =	simm.s32 $0xF400;
	s20 =	simm.s32 $0xFC00;
	s21 =	simm.s32 $0x3  }
0x9: {  	s22 =	simm.s32 $0x5;
	s23 =	simm.s32 $0x4;
	s24 =	simm.s32 $0x6  }
0xa: {  	s1 =	sand.u32 $0x1, s1;
	s5 =	sshll.u32 s9, $0xB;
	[smem:$0x7FF] =	sst s3  }
0xb: {  	s30 =	sshll.u32 s9, $0x12;
	s6 =	sshll.u32 s1, $0xA;
	s26 =	ssub.s32 $0x2, s1  }
0xc: {  	_ =	strace $0x80000047;
	s1 =	sshll.u32 s1, $0x11;
	s5 =	sor.u32 s6, s5  }
0xd: {  	s7 =	sshrl.u32 s26, $0x1;
	s6 =	sadd.s32 $0x200, s2;
	s5 =	sshrl.u32 s5, $0x3  }
.Ltmp0:
0xe: {  	s8 =	ssub.s32 s26, s7;
	s7 =	sadd.s32 $0x300, s2;
	(pc) =	sbr.rel .LBB2_1-.Ltmp0, $4  }
0xf: {  	s26 =	simm.s32 $0x0;
	s0 =	sadd.s32 s5, s0;
	s31 =	smax.u32 s8, $0x1  }
0x10: {  	v2 =	vlaneseq.u32;
	s5 =	sadd.s32 $0x100, s2;
	s0 =	sadd.s32 $0x400, s0;
	[dreg:$0x5] =	wrdreg s31  }
0x11: {  	vm0 =	vmmov $0xffff;
	v1 =	vshrl.u32 v2, $0x3;
	s8 =	simm.s32 $0xE400;
	[dreg:$0x4] =	wrdreg s0;
	s0 =	sadd.s32 s30, s4  }
0x12: {  	v0 =	vand.u32 $0x7, v2;
	v2 =	vor.u32 $0x8, v2;
	v1 =	vmul.u32 $0x8, v1;
	s4 =	simm.s32 $0xDC00;
	s9 =	sadd.s32 s1, s0;
	s1 =	simm.s32 $0xA400  }
.LBB2_4:
0x13: {  	s0 =	simm.s32 $0x7  }
0x14: {  	_ =	swait.ge [sflag:s0], $0x4000  }
0x15: {  	[sflag:s0] =	ssyncset.done $0x0  }
0x16: {  	s25 =	simm.s32 $0x8;
	[sflag:s0] =	ssyncadd.s32 $0xFFFFC000  }
0x17: {  	_ =	swait.ge [sflag:s25], $0x4000  }
0x18: {  	s26 =	rddreg [dreg:$0x6]  }
0x19: {  	s31 =	rddreg [dreg:$0x5];
	s26 =	sadd.s32 $0x1, s26  }
0x1a: {  	p0 =	sne.s32 s26, s31  }
.Ltmp1:
0x1b: {  	_ = 	snop;
	(pc) =	sbr.rel @!p0 .LBB2_5-.Ltmp1, $3  }
0x1c: {  	_ =	sdelay $0x1  }
0x1d: {  	[sflag:s25] =	ssyncset.done $0x0  }
0x1e: {  	[sflag:s25] =	ssyncadd.s32 $0xFFFFC000  }
.LBB2_1:
0x1f: {  	[dreg:$0x6] =	wrdreg s26  }
0x20: {  	s0 =	rddreg [dreg:$0x4];
	s25 =	simm.s32 $0x9  }
0x21: {  	[tilespmem:s3], [sflag:$0x9] =	stream.linear.gather [hbm4b:s0+s3], $0x400, $0x38;
	[tilespmem:$0x10400] =	vst v63  }
0x22: {  	_ =	swait.ge [sflag:s25], $0x400  }
0x23: {  	[sflag:s25] =	ssyncset.done $0x0  }
0x24: {  	[sflag:s25] =	ssyncadd.s32 $0xFFFFFC00  }
0x25: {  	v3 =	vld [tilespmem:$0x0];
	_ =	sdelay $0x4  }
0x26: {  	v4 =	vshll.u32 v3, $0x3  }
0x27: {  	v3 =	vand.u32 $0x7, v3;
	v4 =	vand.u32 $0xFFFFFFC0, v4  }
0x28: {  	v3 =	vor.u32 v3, v4  }
0x29: {  	v4 =	vperm.xlane v3, v0;
	_ =	sdelay $0x1  }
0x2a: {  	v4 =	vadd.s32 v1, v4;
	_ =	sdelay $0x3  }
0x2b: {  	s26 =	simm.s32 $0x400  }
0x2c: {  	[tilespmem:s26], [sflag:$0x1] =	stream.indirect_vreg.gather [hbm4b:s2+s3], $0x80, v4, vm0, $0xb8;
	[tilespmem:$0x10400] =	vst v63  }
0x2d: {  	s30 =	simm.s32 $0xC00;
	v3 =	vperm.xlane v3, v2  }
0x2e: {  	[tilespmem:s30], [sflag:$0x1] =	stream.indirect_vreg.gather [hbm4b:s5+s3], $0x80, v4, vm0, $0xb8;
	[tilespmem:$0x10400] =	vst v63  }
0x2f: {  	s31 =	simm.s32 $0x1400;
	v3 =	vadd.s32 v1, v3  }
0x30: {  	[tilespmem:s31], [sflag:$0x1] =	stream.indirect_vreg.gather [hbm4b:s6+s3], $0x80, v4, vm0, $0xb8;
	[tilespmem:$0x10400] =	vst v63  }
0x31: {  	s25 =	simm.s32 $0x1C00  }
0x32: {  	[tilespmem:s25], [sflag:$0x1] =	stream.indirect_vreg.gather [hbm4b:s7+s3], $0x80, v4, vm0, $0xb8;
	[tilespmem:$0x10400] =	vst v63  }
0x33: {  	s26 =	simm.s32 $0x2400  }
0x34: {  	[tilespmem:s26], [sflag:$0x1] =	stream.indirect_vreg.gather [hbm4b:s2+s3], $0x80, v3, vm0, $0xb8;
	[tilespmem:$0x10400] =	vst v63  }
0x35: {  	s30 =	simm.s32 $0x2C00  }
0x36: {  	[tilespmem:s30], [sflag:$0x1] =	stream.indirect_vreg.gather [hbm4b:s5+s3], $0x80, v3, vm0, $0xb8;
	[tilespmem:$0x10400] =	vst v63  }
0x37: {  	s31 =	simm.s32 $0x3400  }
0x38: {  	[tilespmem:s31], [sflag:$0x1] =	stream.indirect_vreg.gather [hbm4b:s6+s3], $0x80, v3, vm0, $0xb8;
	[tilespmem:$0x10400] =	vst v63  }
0x39: {  	s25 =	simm.s32 $0x3C00  }
0x3a: {  	[tilespmem:s25], [sflag:$0x1] =	stream.indirect_vreg.gather [hbm4b:s7+s3], $0x80, v3, vm0, $0xb8;
	[tilespmem:$0x10400] =	vst v63  }
0x3b: {  	v3 =	vld [tilespmem:$0x10];
	_ =	sdelay $0x4  }
0x3c: {  	v63 =	vshll.u32 v3, $0x3  }
0x3d: {  	v3 =	vand.u32 $0x7, v3;
	v4 =	vand.u32 $0xFFFFFFC0, v63  }
0x3e: {  	v3 =	vor.u32 v3, v4  }
0x3f: {  	v4 =	vperm.xlane v3, v0;
	_ =	sdelay $0x1  }
0x40: {  	v4 =	vadd.s32 v1, v4;
	_ =	sdelay $0x4  }
0x41: {  	[tilespmem:s19], [sflag:$0x2] =	stream.indirect_vreg.gather [hbm4b:s2+s3], $0x80, v4, vm0, $0xb8;
	[tilespmem:$0x10400] =	vst v63  }
0x42: {  	s26 =	simm.s32 $0x4C00;
	v3 =	vperm.xlane v3, v2  }
0x43: {  	[tilespmem:s26], [sflag:$0x2] =	stream.indirect_vreg.gather [hbm4b:s5+s3], $0x80, v4, vm0, $0xb8;
	[tilespmem:$0x10400] =	vst v63  }
0x44: {  	s30 =	simm.s32 $0x5400;
	v3 =	vadd.s32 v1, v3  }
0x45: {  	[tilespmem:s30], [sflag:$0x2] =	stream.indirect_vreg.gather [hbm4b:s6+s3], $0x80, v4, vm0, $0xb8;
	[tilespmem:$0x10400] =	vst v63  }
0x46: {  	s31 =	simm.s32 $0x5C00  }
0x47: {  	[tilespmem:s31], [sflag:$0x2] =	stream.indirect_vreg.gather [hbm4b:s7+s3], $0x80, v4, vm0, $0xb8;
	[tilespmem:$0x10400] =	vst v63  }
0x48: {  	s25 =	simm.s32 $0x6400  }
0x49: {  	[tilespmem:s25], [sflag:$0x2] =	stream.indirect_vreg.gather [hbm4b:s2+s3], $0x80, v3, vm0, $0xb8;
	[tilespmem:$0x10400] =	vst v63  }
0x4a: {  	s26 =	simm.s32 $0x6C00  }
0x4b: {  	[tilespmem:s26], [sflag:$0x2] =	stream.indirect_vreg.gather [hbm4b:s5+s3], $0x80, v3, vm0, $0xb8;
	[tilespmem:$0x10400] =	vst v63  }
0x4c: {  	s30 =	simm.s32 $0x7400  }
0x4d: {  	[tilespmem:s30], [sflag:$0x2] =	stream.indirect_vreg.gather [hbm4b:s6+s3], $0x80, v3, vm0, $0xb8;
	[tilespmem:$0x10400] =	vst v63  }
0x4e: {  	s31 =	simm.s32 $0x7C00;
	s25 =	simm.s32 $0x30;
	s26 =	simm.s32 $0x0  }
0x4f: {  	[tilespmem:s31], [sflag:$0x2] =	stream.indirect_vreg.gather [hbm4b:s7+s3], $0x80, v3, vm0, $0xb8;
	[tilespmem:$0x10400] =	vst v63  }
.LBB2_2:
0x50: {  	_ =	swait.ge [sflag:s28], $0x4000  }
0x51: {  	s30 =	sadd.s32 s26, s9;
	p0 =	seq.s32 s26, $0x0;
	[sflag:s28] =	ssyncset.done $0x0  }
0x52: {  	s0 =	simm.s32 $0x400;
	s31 =	simm.s32 @!p0 $0x7;
	[sflag:s28] =	ssyncadd.s32 $0xFFFFC000  }
0x53: {  	[hbm4b:s30+s3] =	stream.linear.scatter [tilespmem:s0], [sflag:$0x5], $0x4000, $0x38;
	[tilespmem:$0x10400] =	vst v63  }
0x54: {  	_ =	swait.ge @!p0 [sflag:s31], $0x4000  }
0x55: {  	[sflag:s31] =	ssyncset.done @!p0 $0x0  }
0x56: {  	[sflag:s31] =	ssyncadd.s32 @!p0 $0xFFFFC000  }
0x57: {  	v3 =	vld [tilespmem:s25+$0xFFFFFFF0];
	_ =	sdelay $0x4  }
0x58: {  	v4 =	vshll.u32 v3, $0x3  }
0x59: {  	v3 =	vand.u32 $0x7, v3;
	v4 =	vand.u32 $0xFFFFFFC0, v4  }
0x5a: {  	v3 =	vor.u32 v3, v4  }
0x5b: {  	v4 =	vperm.xlane v3, v0;
	_ =	sdelay $0x1  }
0x5c: {  	v4 =	vadd.s32 v1, v4;
	_ =	sdelay $0x4  }
0x5d: {  	[tilespmem:s29], [sflag:$0x3] =	stream.indirect_vreg.gather [hbm4b:s2+s3], $0x80, v4, vm0, $0xb8;
	[tilespmem:$0x10400] =	vst v63  }
0x5e: {  	s31 =	simm.s32 $0x8C00;
	v3 =	vperm.xlane v3, v2  }
0x5f: {  	[tilespmem:s31], [sflag:$0x3] =	stream.indirect_vreg.gather [hbm4b:s5+s3], $0x80, v4, vm0, $0xb8;
	[tilespmem:$0x10400] =	vst v63  }
0x60: {  	v3 =	vadd.s32 v1, v3;
	s31 =	simm.s32 $0x9400  }
0x61: {  	[tilespmem:s31], [sflag:$0x3] =	stream.indirect_vreg.gather [hbm4b:s6+s3], $0x80, v4, vm0, $0xb8;
	[tilespmem:$0x10400] =	vst v63  }
0x62: {  	s31 =	simm.s32 $0x9C00  }
0x63: {  	[tilespmem:s31], [sflag:$0x3] =	stream.indirect_vreg.gather [hbm4b:s7+s3], $0x80, v4, vm0, $0xb8;
	[tilespmem:$0x10400] =	vst v63  }
0x64: {  	_ = 	snop  }
0x65: {  	[tilespmem:s1], [sflag:$0x3] =	stream.indirect_vreg.gather [hbm4b:s2+s3], $0x80, v3, vm0, $0xb8;
	[tilespmem:$0x10400] =	vst v63  }
0x66: {  	_ = 	snop  }
0x67: {  	[tilespmem:s12], [sflag:$0x3] =	stream.indirect_vreg.gather [hbm4b:s5+s3], $0x80, v3, vm0, $0xb8;
	[tilespmem:$0x10400] =	vst v63  }
0x68: {  	_ = 	snop  }
0x69: {  	[tilespmem:s13], [sflag:$0x3] =	stream.indirect_vreg.gather [hbm4b:s6+s3], $0x80, v3, vm0, $0xb8;
	[tilespmem:$0x10400] =	vst v63  }
0x6a: {  	_ = 	snop  }
0x6b: {  	[tilespmem:s14], [sflag:$0x3] =	stream.indirect_vreg.gather [hbm4b:s7+s3], $0x80, v3, vm0, $0xb8;
	[tilespmem:$0x10400] =	vst v63  }
0x6c: {  	_ =	swait.ge [sflag:s15], $0x4000  }
0x6d: {  	[sflag:s15] =	ssyncset.done $0x0  }
0x6e: {  	s0 =	sadd.s32 $0x800, s30;
	s31 =	simm.s32 @!p0 $0x8;
	[sflag:s15] =	ssyncadd.s32 $0xFFFFC000  }
0x6f: {  	[hbm4b:s0+s3] =	stream.linear.scatter [tilespmem:s19], [sflag:$0x6], $0x4000, $0x38;
	[tilespmem:$0x10400] =	vst v63  }
0x70: {  	_ =	swait.ge @!p0 [sflag:s31], $0x4000  }
0x71: {  	[sflag:s31] =	ssyncset.done @!p0 $0x0  }
0x72: {  	[sflag:s31] =	ssyncadd.s32 @!p0 $0xFFFFC000  }
0x73: {  	v3 =	vld [tilespmem:s25+$0x0];
	_ =	sdelay $0x4  }
0x74: {  	v63 =	vshll.u32 v3, $0x3  }
0x75: {  	v3 =	vand.u32 $0x7, v3;
	v4 =	vand.u32 $0xFFFFFFC0, v63  }
0x76: {  	v3 =	vor.u32 v3, v4  }
0x77: {  	v4 =	vperm.xlane v3, v0;
	_ =	sdelay $0x1  }
0x78: {  	v4 =	vadd.s32 v1, v4;
	_ =	sdelay $0x4  }
0x79: {  	[tilespmem:s16], [sflag:$0x4] =	stream.indirect_vreg.gather [hbm4b:s2+s3], $0x80, v4, vm0, $0xb8;
	[tilespmem:$0x10400] =	vst v63  }
0x7a: {  	v3 =	vperm.xlane v3, v2  }
0x7b: {  	[tilespmem:s17], [sflag:$0x4] =	stream.indirect_vreg.gather [hbm4b:s5+s3], $0x80, v4, vm0, $0xb8;
	[tilespmem:$0x10400] =	vst v63  }
0x7c: {  	v3 =	vadd.s32 v1, v3  }
0x7d: {  	[tilespmem:s18], [sflag:$0x4] =	stream.indirect_vreg.gather [hbm4b:s6+s3], $0x80, v4, vm0, $0xb8;
	[tilespmem:$0x10400] =	vst v63  }
0x7e: {  	_ = 	snop  }
0x7f: {  	[tilespmem:s4], [sflag:$0x4] =	stream.indirect_vreg.gather [hbm4b:s7+s3], $0x80, v4, vm0, $0xb8;
	[tilespmem:$0x10400] =	vst v63  }
0x80: {  	_ = 	snop  }
0x81: {  	[tilespmem:s8], [sflag:$0x4] =	stream.indirect_vreg.gather [hbm4b:s2+s3], $0x80, v3, vm0, $0xb8;
	[tilespmem:$0x10400] =	vst v63  }
0x82: {  	_ = 	snop  }
0x83: {  	[tilespmem:s10], [sflag:$0x4] =	stream.indirect_vreg.gather [hbm4b:s5+s3], $0x80, v3, vm0, $0xb8;
	[tilespmem:$0x10400] =	vst v63  }
0x84: {  	_ = 	snop  }
0x85: {  	[tilespmem:s11], [sflag:$0x4] =	stream.indirect_vreg.gather [hbm4b:s6+s3], $0x80, v3, vm0, $0xb8;
	[tilespmem:$0x10400] =	vst v63  }
0x86: {  	_ = 	snop  }
0x87: {  	[tilespmem:s20], [sflag:$0x4] =	stream.indirect_vreg.gather [hbm4b:s7+s3], $0x80, v3, vm0, $0xb8;
	[tilespmem:$0x10400] =	vst v63  }
0x88: {  	_ =	swait.ge [sflag:s21], $0x4000  }
0x89: {  	[sflag:s21] =	ssyncset.done $0x0  }
0x8a: {  	s0 =	sadd.s32 $0x1000, s30;
	[sflag:s21] =	ssyncadd.s32 $0xFFFFC000  }
0x8b: {  	[hbm4b:s0+s3] =	stream.linear.scatter [tilespmem:s29], [sflag:$0x7], $0x4000, $0x38;
	[tilespmem:$0x10400] =	vst v63  }
0x8c: {  	_ =	swait.ge [sflag:s22], $0x4000  }
0x8d: {  	[sflag:s22] =	ssyncset.done $0x0  }
0x8e: {  	p0 =	seq.s32 s26, $0x1E000;
	[sflag:s22] =	ssyncadd.s32 $0xFFFFC000  }
0x8f: {  	v3 =	vld @!p0 [tilespmem:s25+$0x10];
	_ =	sdelay $0x4  }
0x90: {  	v4 =	vshll.u32 @!p0 v3, $0x3  }
0x91: {  	v5 =	vlaneseq.u32 @!p0;
	v3 =	vand.u32 @!p0 $0x7, v3;
	v4 =	vand.u32 @!p0 $0xFFFFFFC0, v4  }
0x92: {  	v6 =	vshrl.u32 @!p0 v5, $0x3;
	v3 =	vor.u32 @!p0 v3, v4;
	v4 =	vand.u32 @!p0 $0x7, v5  }
0x93: {  	v6 =	vmul.u32 @!p0 $0x8, v6;
	v4 =	vperm.xlane @!p0 v3, v4;
	_ =	sdelay $0x1  }
0x94: {  	v4 =	vadd.s32 @!p0 v6, v4;
	_ =	sdelay $0x3  }
0x95: {  	vm1 =	vmmov @!p0 $0xffff;
	s31 =	simm.s32 @!p0 $0x0;
	s0 =	simm.s32 @!p0 $0x400  }
0x96: {  	v5 =	vor.u32 @!p0 $0x8, v5;
	[tilespmem:s0], [sflag:$0x1] =	stream.indirect_vreg.gather @!p0 [hbm4b:s2+s31], $0x80, v4, vm1, $0xb8;
	[tilespmem:$0x10400] =	vst v63  }
0x97: {  	v3 =	vperm.xlane @!p0 v3, v5;
	s0 =	simm.s32 @!p0 $0xC00  }
0x98: {  	[tilespmem:s0], [sflag:$0x1] =	stream.indirect_vreg.gather @!p0 [hbm4b:s5+s31], $0x80, v4, vm1, $0xb8;
	[tilespmem:$0x10400] =	vst v63  }
0x99: {  	v3 =	vadd.s32 @!p0 v6, v3;
	s0 =	simm.s32 @!p0 $0x1400  }
0x9a: {  	[tilespmem:s0], [sflag:$0x1] =	stream.indirect_vreg.gather @!p0 [hbm4b:s6+s31], $0x80, v4, vm1, $0xb8;
	[tilespmem:$0x10400] =	vst v63  }
0x9b: {  	s0 =	simm.s32 @!p0 $0x1C00  }
0x9c: {  	[tilespmem:s0], [sflag:$0x1] =	stream.indirect_vreg.gather @!p0 [hbm4b:s7+s31], $0x80, v4, vm1, $0xb8;
	[tilespmem:$0x10400] =	vst v63  }
0x9d: {  	s0 =	simm.s32 @!p0 $0x2400  }
0x9e: {  	[tilespmem:s0], [sflag:$0x1] =	stream.indirect_vreg.gather @!p0 [hbm4b:s2+s31], $0x80, v3, vm1, $0xb8;
	[tilespmem:$0x10400] =	vst v63  }
0x9f: {  	s0 =	simm.s32 @!p0 $0x2C00  }
0xa0: {  	[tilespmem:s0], [sflag:$0x1] =	stream.indirect_vreg.gather @!p0 [hbm4b:s5+s31], $0x80, v3, vm1, $0xb8;
	[tilespmem:$0x10400] =	vst v63  }
0xa1: {  	s0 =	simm.s32 @!p0 $0x3400  }
0xa2: {  	[tilespmem:s0], [sflag:$0x1] =	stream.indirect_vreg.gather @!p0 [hbm4b:s6+s31], $0x80, v3, vm1, $0xb8;
	[tilespmem:$0x10400] =	vst v63  }
0xa3: {  	s0 =	simm.s32 @!p0 $0x3C00  }
0xa4: {  	[tilespmem:s0], [sflag:$0x1] =	stream.indirect_vreg.gather @!p0 [hbm4b:s7+s31], $0x80, v3, vm1, $0xb8;
	[tilespmem:$0x10400] =	vst v63  }
0xa5: {  	_ =	swait.ge [sflag:s23], $0x4000  }
0xa6: {  	[sflag:s23] =	ssyncset.done $0x0  }
.Ltmp2:
0xa7: {  	s31 =	sadd.s32 $0x1800, s30;
	[sflag:s23] =	ssyncadd.s32 $0xFFFFC000;
	(pc) =	sbr.rel @p0 .LBB2_4-.Ltmp2, $4  }
0xa8: {  	[hbm4b:s31+s3] =	stream.linear.scatter [tilespmem:s16], [sflag:$0x8], $0x4000, $0x38;
	[tilespmem:$0x10400] =	vst v63  }
0xa9: {  	_ =	swait.ge [sflag:s24], $0x4000  }
0xaa: {  	[sflag:s24] =	ssyncset.done $0x0  }
0xab: {  	[sflag:s24] =	ssyncadd.s32 $0xFFFFC000  }
0xac: {  	v3 =	vld [tilespmem:s25+$0x20];
	_ =	sdelay $0x4  }
0xad: {  	v4 =	vshll.u32 v3, $0x3  }
0xae: {  	v3 =	vand.u32 $0x7, v3;
	v4 =	vand.u32 $0xFFFFFFC0, v4  }
0xaf: {  	v3 =	vor.u32 v3, v4  }
0xb0: {  	v4 =	vperm.xlane v3, v0;
	_ =	sdelay $0x1  }
0xb1: {  	v4 =	vadd.s32 v1, v4;
	_ =	sdelay $0x4  }
0xb2: {  	[tilespmem:s19], [sflag:$0x2] =	stream.indirect_vreg.gather [hbm4b:s2+s3], $0x80, v4, vm0, $0xb8;
	[tilespmem:$0x10400] =	vst v63  }
0xb3: {  	s0 =	simm.s32 $0x4C00;
	v3 =	vperm.xlane v3, v2  }
0xb4: {  	[tilespmem:s0], [sflag:$0x2] =	stream.indirect_vreg.gather [hbm4b:s5+s3], $0x80, v4, vm0, $0xb8;
	[tilespmem:$0x10400] =	vst v63  }
0xb5: {  	s30 =	simm.s32 $0x5400;
	v3 =	vadd.s32 v1, v3  }
0xb6: {  	[tilespmem:s30], [sflag:$0x2] =	stream.indirect_vreg.gather [hbm4b:s6+s3], $0x80, v4, vm0, $0xb8;
	[tilespmem:$0x10400] =	vst v63  }
0xb7: {  	s31 =	simm.s32 $0x5C00  }
0xb8: {  	[tilespmem:s31], [sflag:$0x2] =	stream.indirect_vreg.gather [hbm4b:s7+s3], $0x80, v4, vm0, $0xb8;
	[tilespmem:$0x10400] =	vst v63  }
0xb9: {  	s30 =	simm.s32 $0x6400  }
0xba: {  	[tilespmem:s30], [sflag:$0x2] =	stream.indirect_vreg.gather [hbm4b:s2+s3], $0x80, v3, vm0, $0xb8;
	[tilespmem:$0x10400] =	vst v63  }
0xbb: {  	s31 =	simm.s32 $0x6C00  }
0xbc: {  	[tilespmem:s31], [sflag:$0x2] =	stream.indirect_vreg.gather [hbm4b:s5+s3], $0x80, v3, vm0, $0xb8;
	[tilespmem:$0x10400] =	vst v63  }
.Ltmp3:
0xbd: {  	_ = 	snop;
	(pc) =	sbr.rel .LBB2_2-.Ltmp3, $4  }
0xbe: {  	s30 =	simm.s32 $0x7400  }
0xbf: {  	[tilespmem:s30], [sflag:$0x2] =	stream.indirect_vreg.gather [hbm4b:s6+s3], $0x80, v3, vm0, $0xb8;
	[tilespmem:$0x10400] =	vst v63  }
0xc0: {  	s26 =	sadd.s32 $0x2000, s26;
	s25 =	sadd.s32 $0x40, s25;
	s31 =	simm.s32 $0x7C00  }
0xc1: {  	[tilespmem:s31], [sflag:$0x2] =	stream.indirect_vreg.gather [hbm4b:s7+s3], $0x80, v3, vm0, $0xb8;
	[tilespmem:$0x10400] =	vst v63  }
.LBB2_5:
0xc2: {  	_ =	sfence.sel $0x180000  }
0xc3: {  	[bflag:$0x0] =	sbarrier.arrive $0xFFFF  }
0xc4: {  	_ =	strace $0x90000047  }
0xc5: {  	s0 =	stileid.u32;
	[bflag:$0x2] =	sbarrier.arrive $0xFFFF  }
0xc6: {  	p0 =	sne.s32 s0, $0x0;
	s0 =	rddreg [dreg:$0x3]  }
0xc7: {  	s0 =	sadd.s32 @!p0 $0x100000, s0  }
0xc8: {  	[sflag:s0] =	ssyncadd.tile.s32 @!p0 $0x1;
	_ =	shalt  }
.Lfunc_end2:
_tile_overlayer_lowered:
.L_overlay_start_2:
0xc9: {  	(tag) =	ssettag $0x2  }
0xca: {  	s0 =	rddreg [dreg:$0x0];
	s2 =	stileid.u32  }
0xcb: {  	s1 =	rddreg [dreg:$0x1];
	p0 =	sne.s32 s2, $0x0  }
0xcc: {  	s3 =	rddreg [dreg:$0x2];
	[bflag:$0x3] =	sbarrier.arrive $0xFFFF;
	s2 =	simm.s32 @!p0 $0x1C09  }
0xcd: {  	[timem:s3], [sflag:s2] =	dma.local @!p0 [hbm:s0], s1  }
0xce: {  	s0 =	simm.s32 @!p0 $0x9  }
0xcf: {  	_ =	swait.ge @!p0 [sflag:s0], s1  }
0xd0: {  	s1 =	ssub.s32 @!p0 $0x0, s1;
	[sflag:s0] =	ssyncset.done @!p0 $0x0  }
0xd1: {  	[sflag:s0] =	ssyncadd.s32 @!p0 s1  }
0xd2: {  	[bflag:$0x3] =	sbarrier.arrive $0xFFFF  }
0xd3: {  	_ =	shalt  }

</sc_bundles>
